<compile_context>
chip_gen: v7x
topology: tpu7x:2x2x1
jax: 0.10.2.dev20260603
libtpu: 0.0.44.dev20260713+nightly
codegen_flags: <defaults>
</compile_context>

<pallas_src>
import functools

import jax
import jax.numpy as jnp
from jax import lax
from jax.experimental import pallas as pl
from jax.experimental.pallas import tpu as pltpu
from jax.experimental.pallas import tpu_sc as plsc

_NC, _NS = 2, 16
_NW = _NC * _NS
_BLK = 256


def _dot_t(a, b):
    return jax.lax.dot_general(a, b, (((1,), (1,)), ((), ())),
                               preferred_element_type=jnp.float32)


def _router_kernel(logits_ref, wmat_ref, sel_ref):
    logits = logits_ref[...]
    t, e = logits.shape
    m = jnp.max(logits, axis=-1, keepdims=True)
    ex = jnp.exp(logits - m)
    scores = ex / jnp.sum(ex, axis=-1, keepdims=True)
    lane = jax.lax.broadcasted_iota(jnp.int32, (t, e), 1)
    s1 = jnp.max(scores, axis=-1, keepdims=True)
    a1 = jnp.min(jnp.where(scores == s1, lane, e), axis=-1, keepdims=True)
    m1 = lane == a1
    scores2 = jnp.where(m1, -1.0, scores)
    s2 = jnp.max(scores2, axis=-1, keepdims=True)
    a2 = jnp.min(jnp.where(scores2 == s2, lane, e), axis=-1, keepdims=True)
    m2 = lane == a2
    denom = s1 + s2 + 1e-6
    wmat_ref[...] = (jnp.where(m1, s1, 0.0) + jnp.where(m2, s2, 0.0)) / denom
    sel_ref[...] = jnp.where(m1 | m2, 1.0, 0.0)


def _shared_kernel(x_ref, sw1_ref, sw3_ref, sw2_ref, o_ref):
    x = x_ref[...].astype(jnp.bfloat16)
    g = _dot_t(x, sw1_ref[...].astype(jnp.bfloat16))
    u = _dot_t(x, sw3_ref[...].astype(jnp.bfloat16))
    h = (g * jax.nn.sigmoid(g) * u).astype(jnp.bfloat16)
    o_ref[...] = _dot_t(h, sw2_ref[...].astype(jnp.bfloat16))


def _ffn_kernel(be_ref, xs_ref, w1_ref, w3_ref, w2_ref, rw_ref, ys_ref):
    del be_ref
    x = xs_ref[...].astype(jnp.bfloat16)
    g = _dot_t(x, w1_ref[0].astype(jnp.bfloat16))
    u = _dot_t(x, w3_ref[0].astype(jnp.bfloat16))
    h = (g * jax.nn.sigmoid(g) * u).astype(jnp.bfloat16)
    y = _dot_t(h, w2_ref[0].astype(jnp.bfloat16))
    rw = rw_ref[0, 0, :]
    ys_ref[...] = y * rw[:, None]


def _add3_kernel(a_ref, b_ref, c_ref, o_ref):
    o_ref[...] = a_ref[...] + b_ref[...] + c_ref[...]


def _sc_gather_rows(x, row_token, maxr):
    _, w = x.shape
    rows_pw = maxr // _NW
    nch = 8
    ch = rows_pw // nch
    mesh = plsc.VectorSubcoreMesh(core_axis_name="c", subcore_axis_name="s")

    @functools.partial(
        pl.kernel, mesh=mesh,
        out_type=jax.ShapeDtypeStruct((maxr, w), jnp.float32),
        scratch_types=[pltpu.VMEM((rows_pw,), jnp.int32),
                       pltpu.VMEM((ch, w), jnp.float32),
                       pltpu.VMEM((ch, w), jnp.float32),
                       pltpu.SemaphoreType.DMA,
                       pltpu.SemaphoreType.DMA])
    def k(x_hbm, tok_hbm, out_hbm, idx_v, b0, b1, s0, s1):
        wid = lax.axis_index("s") * _NC + lax.axis_index("c")
        base = wid * rows_pw
        pltpu.sync_copy(tok_hbm.at[pl.ds(base, rows_pw)], idx_v)
        bufs, sems, g = (b0, b1), (s0, s1), [None, None]
        g[0] = pltpu.async_copy(
            x_hbm.at[idx_v.at[pl.ds(0, ch)]], b0, s0)
        for i in range(nch):
            if i + 1 < nch:
                g[(i + 1) % 2] = pltpu.async_copy(
                    x_hbm.at[idx_v.at[pl.ds((i + 1) * ch, ch)]],
                    bufs[(i + 1) % 2], sems[(i + 1) % 2])
            g[i % 2].wait()
            pltpu.sync_copy(bufs[i % 2], out_hbm.at[pl.ds(base + i * ch, ch)])

    return k(x, row_token)


def _sc_gather2(ys, r1, r2):
    _, w = ys.shape
    t = r1.shape[0]
    toks_pw = t // _NW
    mesh = plsc.VectorSubcoreMesh(core_axis_name="c", subcore_axis_name="s")

    ch = toks_pw // 2

    @functools.partial(
        pl.kernel, mesh=mesh,
        out_type=(jax.ShapeDtypeStruct((t, w), jnp.float32),
                  jax.ShapeDtypeStruct((t, w), jnp.float32)),
        scratch_types=[pltpu.VMEM((toks_pw,), jnp.int32),
                       pltpu.VMEM((toks_pw,), jnp.int32),
                       pltpu.VMEM((ch, w), jnp.float32),
                       pltpu.VMEM((ch, w), jnp.float32),
                       pltpu.SemaphoreType.DMA,
                       pltpu.SemaphoreType.DMA])
    def k(ys_hbm, r1_hbm, r2_hbm, ysa_hbm, ysb_hbm,
          i1_v, i2_v, ba, bb, sa, sb):
        wid = lax.axis_index("s") * _NC + lax.axis_index("c")
        base = wid * toks_pw
        pltpu.sync_copy(r1_hbm.at[pl.ds(base, toks_pw)], i1_v)
        pltpu.sync_copy(r2_hbm.at[pl.ds(base, toks_pw)], i2_v)
        for i in range(toks_pw // ch):
            ga = pltpu.async_copy(
                ys_hbm.at[i1_v.at[pl.ds(i * ch, ch)]], ba, sa)
            gb = pltpu.async_copy(
                ys_hbm.at[i2_v.at[pl.ds(i * ch, ch)]], bb, sb)
            ga.wait()
            pltpu.sync_copy(ba, ysa_hbm.at[pl.ds(base + i * ch, ch)])
            gb.wait()
            pltpu.sync_copy(bb, ysb_hbm.at[pl.ds(base + i * ch, ch)])

    return k(ys, r1, r2)


def kernel(hidden_states, gate_w, w1, w2, w3, sw1, sw2, sw3):
    b, s, d = hidden_states.shape
    t = b * s
    e = gate_w.shape[0]
    df = w1.shape[1]
    dsh = sw1.shape[0]
    x = hidden_states.reshape(t, d)

    maxb = (t * 2) // _BLK + e
    maxr = maxb * _BLK

    logits = x @ gate_w.T
    wmat, selmask = pl.pallas_call(
        _router_kernel,
        out_shape=(jax.ShapeDtypeStruct((t, e), jnp.float32),
                   jax.ShapeDtypeStruct((t, e), jnp.float32)),
    )(logits)

    sel = selmask > 0.0
    counts = jnp.sum(selmask, axis=0).astype(jnp.int32)
    positions = (jnp.cumsum(selmask, axis=0) - selmask).astype(jnp.int32)
    pc = ((counts + _BLK - 1) // _BLK) * _BLK
    cum = jnp.cumsum(pc)
    poff = cum - pc
    dest = poff[None, :] + positions
    bi = jnp.arange(maxb, dtype=jnp.int32) * _BLK
    block_expert = jnp.minimum(
        jnp.sum((bi[:, None] >= cum[None, :]).astype(jnp.int32), axis=1),
        e - 1).astype(jnp.int32)
    dm1 = jnp.where(sel, dest, 2 * maxr)
    dm2 = jnp.where(sel, dest, -1)
    r1 = jnp.min(dm1, axis=1).astype(jnp.int32)
    r2 = jnp.max(dm2, axis=1).astype(jnp.int32)
    e1 = jnp.argmin(dm1, axis=1)
    e2 = jnp.argmax(dm2, axis=1)
    wv1 = jnp.take_along_axis(wmat, e1[:, None], axis=1)[:, 0]
    wv2 = jnp.take_along_axis(wmat, e2[:, None], axis=1)[:, 0]
    tok = jnp.arange(t, dtype=jnp.int32)
    pad_tok = (jnp.arange(maxr, dtype=jnp.int32) * 64) % t
    row_token = pad_tok.at[r1].set(tok).at[r2].set(tok)
    row_weight = jnp.zeros((maxr,), jnp.float32).at[r1].set(wv1).at[r2].set(wv2)

    xs = _sc_gather_rows(x, row_token, maxr)

    bts = 512
    shared = pl.pallas_call(
        _shared_kernel,
        grid=(t // bts,),
        in_specs=[
            pl.BlockSpec((bts, d), lambda i: (i, 0)),
            pl.BlockSpec((dsh, d), lambda i: (0, 0)),
            pl.BlockSpec((dsh, d), lambda i: (0, 0)),
            pl.BlockSpec((d, dsh), lambda i: (0, 0)),
        ],
        out_specs=pl.BlockSpec((bts, d), lambda i: (i, 0)),
        out_shape=jax.ShapeDtypeStruct((t, d), jnp.float32),
    )(x, sw1, sw3, sw2)

    rw3d = row_weight.reshape(maxb, 1, _BLK)
    grid_spec = pltpu.PrefetchScalarGridSpec(
        num_scalar_prefetch=1,
        grid=(maxb,),
        in_specs=[
            pl.BlockSpec((_BLK, d), lambda i, be: (i, 0)),
            pl.BlockSpec((1, df, d), lambda i, be: (be[i], 0, 0)),
            pl.BlockSpec((1, df, d), lambda i, be: (be[i], 0, 0)),
            pl.BlockSpec((1, d, df), lambda i, be: (be[i], 0, 0)),
            pl.BlockSpec((1, 1, _BLK), lambda i, be: (i, 0, 0)),
        ],
        out_specs=pl.BlockSpec((_BLK, d), lambda i, be: (i, 0)),
    )
    ys = pl.pallas_call(
        _ffn_kernel,
        grid_spec=grid_spec,
        out_shape=jax.ShapeDtypeStruct((maxr, d), jnp.float32),
        compiler_params=pltpu.CompilerParams(
            dimension_semantics=("arbitrary",)),
    )(block_expert, xs, w1, w3, w2, rw3d)

    ysa, ysb = _sc_gather2(ys, r1, r2)

    out = pl.pallas_call(
        _add3_kernel,
        grid=(t // bts,),
        in_specs=[pl.BlockSpec((bts, d), lambda i: (i, 0))] * 3,
        out_specs=pl.BlockSpec((bts, d), lambda i: (i, 0)),
        out_shape=jax.ShapeDtypeStruct((t, d), jnp.float32),
    )(shared, ysa, ysb)

    return out.reshape(b, s, d), logits

# --- scband reference (transcript-rebuilt; emitter-appended) ---
"""Pipeline reference for scband-deepseek-mo-ewith-cache-29429115912763 (READ-ONLY COPY).

The authoritative reference and input builder live on the scoring server;
editing this copy changes nothing except your own understanding.
"""

import jax, jax.numpy as jnp
import numpy as np

B, S, D = 1, 2048, 1024
E, K = 16, 2
DF = 1024          # moe_intermediate_size per routed expert
DSH = 2 * 1024     # shared experts intermediate (n_shared_experts * d)


def _silu(x):
    return x * jax.nn.sigmoid(x)


def setup_inputs(seed: int = 0) -> dict:
    key = jax.random.key(seed)
    ks = jax.random.split(key, 8)
    hidden_states = jax.random.normal(ks[0], (B, S, D), dtype=jnp.float32)
    gate_w = jax.random.normal(ks[1], (E, D), dtype=jnp.float32) * 0.02
    w1 = jax.random.normal(ks[2], (E, DF, D), dtype=jnp.float32) * 0.02  # gate_proj
    w3 = jax.random.normal(ks[3], (E, DF, D), dtype=jnp.float32) * 0.02  # up_proj
    w2 = jax.random.normal(ks[4], (E, D, DF), dtype=jnp.float32) * 0.02  # down_proj
    sw1 = jax.random.normal(ks[5], (DSH, D), dtype=jnp.float32) * 0.02
    sw3 = jax.random.normal(ks[6], (DSH, D), dtype=jnp.float32) * 0.02
    sw2 = jax.random.normal(ks[7], (D, DSH), dtype=jnp.float32) * 0.02
    return {"hidden_states": hidden_states, "gate_w": gate_w, "w1": w1,
            "w2": w2, "w3": w3, "sw1": sw1, "sw2": sw2, "sw3": sw3}


def reference(hidden_states, gate_w, w1, w2, w3, sw1, sw2, sw3):
    b, s, d = hidden_states.shape
    x = hidden_states.reshape(-1, d)
    # router: F.linear(x, gate_w) -> [T, E]
    router_logits = x @ gate_w.T
    scores = jax.nn.softmax(router_logits.astype(jnp.float32), axis=-1)
    routing_weights, selected_experts = jax.lax.top_k(scores, K)
    routing_weights = routing_weights / (jnp.sum(routing_weights, axis=-1, keepdims=True) + 1e-6)
    routing_weights = routing_weights.astype(x.dtype)

    out = jnp.zeros_like(x)
    num_experts = w1.shape[0]
    for e in range(num_experts):
        w_e = jnp.sum(
            jnp.where(selected_experts == e, routing_weights, jnp.zeros_like(routing_weights)),
            axis=-1,
        )
        h = _silu(x @ w1[e].T) * (x @ w3[e].T)
        ye = h @ w2[e].T
        ye = ye * w_e[:, None]
        out = out + ye

    # shared experts (always-on dense MLP)
    shared = (_silu(x @ sw1.T) * (x @ sw3.T)) @ sw2.T
    out = out + shared
    return out.reshape(b, s, d), router_logits

if __name__ == "__main__":
    import jax
    _d = setup_inputs()
    print(jax.jit(kernel)(*tuple(_d.values())))

</pallas_src>

<mosaic_0001>
#map = affine_map<(d0, d1) -> (0, 0)>
#map1 = affine_map<(d0, d1) -> (0)>
module attributes {stable_mosaic.version = 14 : i64} {
  func.func @k(%arg0: i32, %arg1: i32, %arg2: memref<8192x1024xf32, #tpu.memory_space<hbm>>, %arg3: memref<2048xi32, #tpu.memory_space<hbm>>, %arg4: memref<2048xi32, #tpu.memory_space<hbm>>, %arg5: memref<2048x1024xf32, #tpu.memory_space<hbm>>, %arg6: memref<2048x1024xf32, #tpu.memory_space<hbm>>, %arg7: memref<64xi32, #tpu.memory_space<vmem>>, %arg8: memref<64xi32, #tpu.memory_space<vmem>>, %arg9: memref<32x1024xf32, #tpu.memory_space<vmem>>, %arg10: memref<32x1024xf32, #tpu.memory_space<vmem>>, %arg11: memref<!tpu.dma_semaphore, #tpu.memory_space<semaphore_mem>>, %arg12: memref<!tpu.dma_semaphore, #tpu.memory_space<semaphore_mem>>) attributes {dimension_semantics = [#tpu.dimension_semantics<core_parallel>, #tpu.dimension_semantics<subcore_parallel>], iteration_bounds = array<i64: 2, 16>, scalar_prefetch = 0 : i64, scratch_operands = 6 : i64, tpu.core_type = #tpu.core_type<sc_vector_subcore>, window_params = [{transform_indices = #map}, {transform_indices = #map1}, {transform_indices = #map1}, {transform_indices = #map}, {transform_indices = #map}]} {
    %mul3A = arith.constant 2 : i32
    %mul3A_0 = arith.muli %arg1, %mul3A : i32
    %add3A = arith.addi %mul3A_0, %arg0 : i32
    %mul3A_1 = arith.constant 64 : i32
    %mul3A_2 = arith.muli %add3A, %mul3A_1 : i32
    "tpu.region"() ({
      %run_scoped3A = tpu.sem_alloc : memref<!tpu.dma_semaphore, #tpu.memory_space<semaphore_mem>>
      %dma_start3A_49 = tpu.memref_slice %arg3[%mul3A_2] : memref<2048xi32, #tpu.memory_space<hbm>> -> memref<64xi32, #tpu.memory_space<hbm>>
      %dma_start3A_50 = tpu.memref_slice %arg3[%mul3A_2] : memref<2048xi32, #tpu.memory_space<hbm>> -> memref<64xi32, #tpu.memory_space<hbm>>
      tpu.enqueue_dma source(%dma_start3A_50 : memref<64xi32, #tpu.memory_space<hbm>>) target(%arg7 : memref<64xi32, #tpu.memory_space<vmem>>) target_semaphore(%run_scoped3A : memref<!tpu.dma_semaphore, #tpu.memory_space<semaphore_mem>>)
      %dma_wait3A_51 = tpu.memref_slice %arg3[%mul3A_2] : memref<2048xi32, #tpu.memory_space<hbm>> -> memref<64xi32, #tpu.memory_space<hbm>>
      %dma_wait3A_52 = tpu.memref_slice %arg3[%mul3A_2] : memref<2048xi32, #tpu.memory_space<hbm>> -> memref<64xi32, #tpu.memory_space<hbm>>
      tpu.wait_dma2 semaphore(%run_scoped3A : memref<!tpu.dma_semaphore, #tpu.memory_space<semaphore_mem>>) src(%dma_wait3A_52 : memref<64xi32, #tpu.memory_space<hbm>>) dst(%arg7 : memref<64xi32, #tpu.memory_space<vmem>>)
      tpu.yield
    }) : () -> ()
    "tpu.region"() ({
      %run_scoped3A = tpu.sem_alloc : memref<!tpu.dma_semaphore, #tpu.memory_space<semaphore_mem>>
      %dma_start3A_49 = tpu.memref_slice %arg4[%mul3A_2] : memref<2048xi32, #tpu.memory_space<hbm>> -> memref<64xi32, #tpu.memory_space<hbm>>
      %dma_start3A_50 = tpu.memref_slice %arg4[%mul3A_2] : memref<2048xi32, #tpu.memory_space<hbm>> -> memref<64xi32, #tpu.memory_space<hbm>>
      tpu.enqueue_dma source(%dma_start3A_50 : memref<64xi32, #tpu.memory_space<hbm>>) target(%arg8 : memref<64xi32, #tpu.memory_space<vmem>>) target_semaphore(%run_scoped3A : memref<!tpu.dma_semaphore, #tpu.memory_space<semaphore_mem>>)
      %dma_wait3A_51 = tpu.memref_slice %arg4[%mul3A_2] : memref<2048xi32, #tpu.memory_space<hbm>> -> memref<64xi32, #tpu.memory_space<hbm>>
      %dma_wait3A_52 = tpu.memref_slice %arg4[%mul3A_2] : memref<2048xi32, #tpu.memory_space<hbm>> -> memref<64xi32, #tpu.memory_space<hbm>>
      tpu.wait_dma2 semaphore(%run_scoped3A : memref<!tpu.dma_semaphore, #tpu.memory_space<semaphore_mem>>) src(%dma_wait3A_52 : memref<64xi32, #tpu.memory_space<hbm>>) dst(%arg8 : memref<64xi32, #tpu.memory_space<vmem>>)
      tpu.yield
    }) : () -> ()
    %dma_start3A = arith.constant 0 : i32
    %dma_start3A_3 = tpu.memref_slice %arg7[%dma_start3A] : memref<64xi32, #tpu.memory_space<vmem>> -> memref<32xi32, #tpu.memory_space<vmem>>
    %dma_start3A_4 = arith.constant 0 : i32
    %dma_start3A_5 = arith.constant 0 : i32
    %dma_start3A_6 = tpu.memref_slice %arg2[%dma_start3A_4, %dma_start3A_5] : memref<8192x1024xf32, #tpu.memory_space<hbm>> -> memref<8192x1024xf32, #tpu.memory_space<hbm>>
    tpu.enqueue_indirect_dma source(%dma_start3A_6 : memref<8192x1024xf32, #tpu.memory_space<hbm>>) target(%arg9 : memref<32x1024xf32, #tpu.memory_space<vmem>>) offsets(%dma_start3A_3 : memref<32xi32, #tpu.memory_space<vmem>>) semaphore(%arg11 : memref<!tpu.dma_semaphore, #tpu.memory_space<semaphore_mem>>)
    %dma_start3A_7 = arith.constant 0 : i32
    %dma_start3A_8 = tpu.memref_slice %arg8[%dma_start3A_7] : memref<64xi32, #tpu.memory_space<vmem>> -> memref<32xi32, #tpu.memory_space<vmem>>
    %dma_start3A_9 = arith.constant 0 : i32
    %dma_start3A_10 = arith.constant 0 : i32
    %dma_start3A_11 = tpu.memref_slice %arg2[%dma_start3A_9, %dma_start3A_10] : memref<8192x1024xf32, #tpu.memory_space<hbm>> -> memref<8192x1024xf32, #tpu.memory_space<hbm>>
    tpu.enqueue_indirect_dma source(%dma_start3A_11 : memref<8192x1024xf32, #tpu.memory_space<hbm>>) target(%arg10 : memref<32x1024xf32, #tpu.memory_space<vmem>>) offsets(%dma_start3A_8 : memref<32xi32, #tpu.memory_space<vmem>>) semaphore(%arg12 : memref<!tpu.dma_semaphore, #tpu.memory_space<semaphore_mem>>)
    %dma_wait3A = arith.constant 0 : i32
    %dma_wait3A_12 = tpu.memref_slice %arg7[%dma_wait3A] : memref<64xi32, #tpu.memory_space<vmem>> -> memref<32xi32, #tpu.memory_space<vmem>>
    %dma_wait3A_13 = arith.constant 0 : i32
    %dma_wait3A_14 = arith.constant 0 : i32
    %dma_wait3A_15 = tpu.memref_slice %arg2[%dma_wait3A_13, %dma_wait3A_14] : memref<8192x1024xf32, #tpu.memory_space<hbm>> -> memref<8192x1024xf32, #tpu.memory_space<hbm>>
    tpu.wait_indirect_dma semaphore(%arg11 : memref<!tpu.dma_semaphore, #tpu.memory_space<semaphore_mem>>) src(%dma_wait3A_15 : memref<8192x1024xf32, #tpu.memory_space<hbm>>) dst(%arg9 : memref<32x1024xf32, #tpu.memory_space<vmem>>)
    %add3A_16 = arith.constant 0 : i32
    %add3A_17 = arith.addi %mul3A_2, %add3A_16 : i32
    "tpu.region"() ({
      %run_scoped3A = tpu.sem_alloc : memref<!tpu.dma_semaphore, #tpu.memory_space<semaphore_mem>>
      %dma_start3A_49 = arith.constant 0 : i32
      %dma_start3A_50 = tpu.memref_slice %arg5[%add3A_17, %dma_start3A_49] : memref<2048x1024xf32, #tpu.memory_space<hbm>> -> memref<32x1024xf32, #tpu.memory_space<hbm>>
      %dma_start3A_51 = arith.constant 0 : i32
      %dma_start3A_52 = tpu.memref_slice %arg5[%add3A_17, %dma_start3A_51] : memref<2048x1024xf32, #tpu.memory_space<hbm>> -> memref<32x1024xf32, #tpu.memory_space<hbm>>
      tpu.enqueue_dma source(%arg9 : memref<32x1024xf32, #tpu.memory_space<vmem>>) target(%dma_start3A_52 : memref<32x1024xf32, #tpu.memory_space<hbm>>) target_semaphore(%run_scoped3A : memref<!tpu.dma_semaphore, #tpu.memory_space<semaphore_mem>>)
      %dma_wait3A_53 = arith.constant 0 : i32
      %dma_wait3A_54 = tpu.memref_slice %arg5[%add3A_17, %dma_wait3A_53] : memref<2048x1024xf32, #tpu.memory_space<hbm>> -> memref<32x1024xf32, #tpu.memory_space<hbm>>
      %dma_wait3A_55 = arith.constant 0 : i32
      %dma_wait3A_56 = tpu.memref_slice %arg5[%add3A_17, %dma_wait3A_55] : memref<2048x1024xf32, #tpu.memory_space<hbm>> -> memref<32x1024xf32, #tpu.memory_space<hbm>>
      tpu.wait_dma2 semaphore(%run_scoped3A : memref<!tpu.dma_semaphore, #tpu.memory_space<semaphore_mem>>) src(%arg9 : memref<32x1024xf32, #tpu.memory_space<vmem>>) dst(%dma_wait3A_56 : memref<32x1024xf32, #tpu.memory_space<hbm>>)
      tpu.yield
    }) : () -> ()
    %dma_wait3A_18 = arith.constant 0 : i32
    %dma_wait3A_19 = tpu.memref_slice %arg8[%dma_wait3A_18] : memref<64xi32, #tpu.memory_space<vmem>> -> memref<32xi32, #tpu.memory_space<vmem>>
    %dma_wait3A_20 = arith.constant 0 : i32
    %dma_wait3A_21 = arith.constant 0 : i32
    %dma_wait3A_22 = tpu.memref_slice %arg2[%dma_wait3A_20, %dma_wait3A_21] : memref<8192x1024xf32, #tpu.memory_space<hbm>> -> memref<8192x1024xf32, #tpu.memory_space<hbm>>
    tpu.wait_indirect_dma semaphore(%arg12 : memref<!tpu.dma_semaphore, #tpu.memory_space<semaphore_mem>>) src(%dma_wait3A_22 : memref<8192x1024xf32, #tpu.memory_space<hbm>>) dst(%arg10 : memref<32x1024xf32, #tpu.memory_space<vmem>>)
    %add3A_23 = arith.constant 0 : i32
    %add3A_24 = arith.addi %mul3A_2, %add3A_23 : i32
    "tpu.region"() ({
      %run_scoped3A = tpu.sem_alloc : memref<!tpu.dma_semaphore, #tpu.memory_space<semaphore_mem>>
      %dma_start3A_49 = arith.constant 0 : i32
      %dma_start3A_50 = tpu.memref_slice %arg6[%add3A_24, %dma_start3A_49] : memref<2048x1024xf32, #tpu.memory_space<hbm>> -> memref<32x1024xf32, #tpu.memory_space<hbm>>
      %dma_start3A_51 = arith.constant 0 : i32
      %dma_start3A_52 = tpu.memref_slice %arg6[%add3A_24, %dma_start3A_51] : memref<2048x1024xf32, #tpu.memory_space<hbm>> -> memref<32x1024xf32, #tpu.memory_space<hbm>>
      tpu.enqueue_dma source(%arg10 : memref<32x1024xf32, #tpu.memory_space<vmem>>) target(%dma_start3A_52 : memref<32x1024xf32, #tpu.memory_space<hbm>>) target_semaphore(%run_scoped3A : memref<!tpu.dma_semaphore, #tpu.memory_space<semaphore_mem>>)
      %dma_wait3A_53 = arith.constant 0 : i32
      %dma_wait3A_54 = tpu.memref_slice %arg6[%add3A_24, %dma_wait3A_53] : memref<2048x1024xf32, #tpu.memory_space<hbm>> -> memref<32x1024xf32, #tpu.memory_space<hbm>>
      %dma_wait3A_55 = arith.constant 0 : i32
      %dma_wait3A_56 = tpu.memref_slice %arg6[%add3A_24, %dma_wait3A_55] : memref<2048x1024xf32, #tpu.memory_space<hbm>> -> memref<32x1024xf32, #tpu.memory_space<hbm>>
      tpu.wait_dma2 semaphore(%run_scoped3A : memref<!tpu.dma_semaphore, #tpu.memory_space<semaphore_mem>>) src(%arg10 : memref<32x1024xf32, #tpu.memory_space<vmem>>) dst(%dma_wait3A_56 : memref<32x1024xf32, #tpu.memory_space<hbm>>)
      tpu.yield
    }) : () -> ()
    %dma_start3A_25 = arith.constant 32 : i32
    %dma_start3A_26 = tpu.memref_slice %arg7[%dma_start3A_25] : memref<64xi32, #tpu.memory_space<vmem>> -> memref<32xi32, #tpu.memory_space<vmem>>
    %dma_start3A_27 = arith.constant 0 : i32
    %dma_start3A_28 = arith.constant 0 : i32
    %dma_start3A_29 = tpu.memref_slice %arg2[%dma_start3A_27, %dma_start3A_28] : memref<8192x1024xf32, #tpu.memory_space<hbm>> -> memref<8192x1024xf32, #tpu.memory_space<hbm>>
    tpu.enqueue_indirect_dma source(%dma_start3A_29 : memref<8192x1024xf32, #tpu.memory_space<hbm>>) target(%arg9 : memref<32x1024xf32, #tpu.memory_space<vmem>>) offsets(%dma_start3A_26 : memref<32xi32, #tpu.memory_space<vmem>>) semaphore(%arg11 : memref<!tpu.dma_semaphore, #tpu.memory_space<semaphore_mem>>)
    %dma_start3A_30 = arith.constant 32 : i32
    %dma_start3A_31 = tpu.memref_slice %arg8[%dma_start3A_30] : memref<64xi32, #tpu.memory_space<vmem>> -> memref<32xi32, #tpu.memory_space<vmem>>
    %dma_start3A_32 = arith.constant 0 : i32
    %dma_start3A_33 = arith.constant 0 : i32
    %dma_start3A_34 = tpu.memref_slice %arg2[%dma_start3A_32, %dma_start3A_33] : memref<8192x1024xf32, #tpu.memory_space<hbm>> -> memref<8192x1024xf32, #tpu.memory_space<hbm>>
    tpu.enqueue_indirect_dma source(%dma_start3A_34 : memref<8192x1024xf32, #tpu.memory_space<hbm>>) target(%arg10 : memref<32x1024xf32, #tpu.memory_space<vmem>>) offsets(%dma_start3A_31 : memref<32xi32, #tpu.memory_space<vmem>>) semaphore(%arg12 : memref<!tpu.dma_semaphore, #tpu.memory_space<semaphore_mem>>)
    %dma_wait3A_35 = arith.constant 32 : i32
    %dma_wait3A_36 = tpu.memref_slice %arg7[%dma_wait3A_35] : memref<64xi32, #tpu.memory_space<vmem>> -> memref<32xi32, #tpu.memory_space<vmem>>
    %dma_wait3A_37 = arith.constant 0 : i32
    %dma_wait3A_38 = arith.constant 0 : i32
    %dma_wait3A_39 = tpu.memref_slice %arg2[%dma_wait3A_37, %dma_wait3A_38] : memref<8192x1024xf32, #tpu.memory_space<hbm>> -> memref<8192x1024xf32, #tpu.memory_space<hbm>>
    tpu.wait_indirect_dma semaphore(%arg11 : memref<!tpu.dma_semaphore, #tpu.memory_space<semaphore_mem>>) src(%dma_wait3A_39 : memref<8192x1024xf32, #tpu.memory_space<hbm>>) dst(%arg9 : memref<32x1024xf32, #tpu.memory_space<vmem>>)
    %add3A_40 = arith.constant 32 : i32
    %add3A_41 = arith.addi %mul3A_2, %add3A_40 : i32
    "tpu.region"() ({
      %run_scoped3A = tpu.sem_alloc : memref<!tpu.dma_semaphore, #tpu.memory_space<semaphore_mem>>
      %dma_start3A_49 = arith.constant 0 : i32
      %dma_start3A_50 = tpu.memref_slice %arg5[%add3A_41, %dma_start3A_49] : memref<2048x1024xf32, #tpu.memory_space<hbm>> -> memref<32x1024xf32, #tpu.memory_space<hbm>>
      %dma_start3A_51 = arith.constant 0 : i32
      %dma_start3A_52 = tpu.memref_slice %arg5[%add3A_41, %dma_start3A_51] : memref<2048x1024xf32, #tpu.memory_space<hbm>> -> memref<32x1024xf32, #tpu.memory_space<hbm>>
      tpu.enqueue_dma source(%arg9 : memref<32x1024xf32, #tpu.memory_space<vmem>>) target(%dma_start3A_52 : memref<32x1024xf32, #tpu.memory_space<hbm>>) target_semaphore(%run_scoped3A : memref<!tpu.dma_semaphore, #tpu.memory_space<semaphore_mem>>)
      %dma_wait3A_53 = arith.constant 0 : i32
      %dma_wait3A_54 = tpu.memref_slice %arg5[%add3A_41, %dma_wait3A_53] : memref<2048x1024xf32, #tpu.memory_space<hbm>> -> memref<32x1024xf32, #tpu.memory_space<hbm>>
      %dma_wait3A_55 = arith.constant 0 : i32
      %dma_wait3A_56 = tpu.memref_slice %arg5[%add3A_41, %dma_wait3A_55] : memref<2048x1024xf32, #tpu.memory_space<hbm>> -> memref<32x1024xf32, #tpu.memory_space<hbm>>
      tpu.wait_dma2 semaphore(%run_scoped3A : memref<!tpu.dma_semaphore, #tpu.memory_space<semaphore_mem>>) src(%arg9 : memref<32x1024xf32, #tpu.memory_space<vmem>>) dst(%dma_wait3A_56 : memref<32x1024xf32, #tpu.memory_space<hbm>>)
      tpu.yield
    }) : () -> ()
    %dma_wait3A_42 = arith.constant 32 : i32
    %dma_wait3A_43 = tpu.memref_slice %arg8[%dma_wait3A_42] : memref<64xi32, #tpu.memory_space<vmem>> -> memref<32xi32, #tpu.memory_space<vmem>>
    %dma_wait3A_44 = arith.constant 0 : i32
    %dma_wait3A_45 = arith.constant 0 : i32
    %dma_wait3A_46 = tpu.memref_slice %arg2[%dma_wait3A_44, %dma_wait3A_45] : memref<8192x1024xf32, #tpu.memory_space<hbm>> -> memref<8192x1024xf32, #tpu.memory_space<hbm>>
    tpu.wait_indirect_dma semaphore(%arg12 : memref<!tpu.dma_semaphore, #tpu.memory_space<semaphore_mem>>) src(%dma_wait3A_46 : memref<8192x1024xf32, #tpu.memory_space<hbm>>) dst(%arg10 : memref<32x1024xf32, #tpu.memory_space<vmem>>)
    %add3A_47 = arith.constant 32 : i32
    %add3A_48 = arith.addi %mul3A_2, %add3A_47 : i32
    "tpu.region"() ({
      %run_scoped3A = tpu.sem_alloc : memref<!tpu.dma_semaphore, #tpu.memory_space<semaphore_mem>>
      %dma_start3A_49 = arith.constant 0 : i32
      %dma_start3A_50 = tpu.memref_slice %arg6[%add3A_48, %dma_start3A_49] : memref<2048x1024xf32, #tpu.memory_space<hbm>> -> memref<32x1024xf32, #tpu.memory_space<hbm>>
      %dma_start3A_51 = arith.constant 0 : i32
      %dma_start3A_52 = tpu.memref_slice %arg6[%add3A_48, %dma_start3A_51] : memref<2048x1024xf32, #tpu.memory_space<hbm>> -> memref<32x1024xf32, #tpu.memory_space<hbm>>
      tpu.enqueue_dma source(%arg10 : memref<32x1024xf32, #tpu.memory_space<vmem>>) target(%dma_start3A_52 : memref<32x1024xf32, #tpu.memory_space<hbm>>) target_semaphore(%run_scoped3A : memref<!tpu.dma_semaphore, #tpu.memory_space<semaphore_mem>>)
      %dma_wait3A_53 = arith.constant 0 : i32
      %dma_wait3A_54 = tpu.memref_slice %arg6[%add3A_48, %dma_wait3A_53] : memref<2048x1024xf32, #tpu.memory_space<hbm>> -> memref<32x1024xf32, #tpu.memory_space<hbm>>
      %dma_wait3A_55 = arith.constant 0 : i32
      %dma_wait3A_56 = tpu.memref_slice %arg6[%add3A_48, %dma_wait3A_55] : memref<2048x1024xf32, #tpu.memory_space<hbm>> -> memref<32x1024xf32, #tpu.memory_space<hbm>>
      tpu.wait_dma2 semaphore(%run_scoped3A : memref<!tpu.dma_semaphore, #tpu.memory_space<semaphore_mem>>) src(%arg10 : memref<32x1024xf32, #tpu.memory_space<vmem>>) dst(%dma_wait3A_56 : memref<32x1024xf32, #tpu.memory_space<hbm>>)
      tpu.yield
    }) : () -> ()
    return
  }
}

#map = affine_map<(d0, d1) -> (0, 0)>
#map1 = affine_map<(d0, d1) -> (0)>
module attributes {stable_mosaic.version = 14 : i64} {
  func.func @k(%arg0: i32, %arg1: i32, %arg2: memref<2048x1024xf32, #tpu.memory_space<hbm>>, %arg3: memref<8192xi32, #tpu.memory_space<hbm>>, %arg4: memref<8192x1024xf32, #tpu.memory_space<hbm>>, %arg5: memref<256xi32, #tpu.memory_space<vmem>>, %arg6: memref<32x1024xf32, #tpu.memory_space<vmem>>, %arg7: memref<32x1024xf32, #tpu.memory_space<vmem>>, %arg8: memref<!tpu.dma_semaphore, #tpu.memory_space<semaphore_mem>>, %arg9: memref<!tpu.dma_semaphore, #tpu.memory_space<semaphore_mem>>) attributes {dimension_semantics = [#tpu.dimension_semantics<core_parallel>, #tpu.dimension_semantics<subcore_parallel>], iteration_bounds = array<i64: 2, 16>, scalar_prefetch = 0 : i64, scratch_operands = 5 : i64, tpu.core_type = #tpu.core_type<sc_vector_subcore>, window_params = [{transform_indices = #map}, {transform_indices = #map1}, {transform_indices = #map}]} {
    %mul3A = arith.constant 2 : i32
    %mul3A_0 = arith.muli %arg1, %mul3A : i32
    %add3A = arith.addi %mul3A_0, %arg0 : i32
    %mul3A_1 = arith.constant 256 : i32
    %mul3A_2 = arith.muli %add3A, %mul3A_1 : i32
    "tpu.region"() ({
      %run_scoped3A = tpu.sem_alloc : memref<!tpu.dma_semaphore, #tpu.memory_space<semaphore_mem>>
      %dma_start3A_97 = tpu.memref_slice %arg3[%mul3A_2] : memref<8192xi32, #tpu.memory_space<hbm>> -> memref<256xi32, #tpu.memory_space<hbm>>
      %dma_start3A_98 = tpu.memref_slice %arg3[%mul3A_2] : memref<8192xi32, #tpu.memory_space<hbm>> -> memref<256xi32, #tpu.memory_space<hbm>>
      tpu.enqueue_dma source(%dma_start3A_98 : memref<256xi32, #tpu.memory_space<hbm>>) target(%arg5 : memref<256xi32, #tpu.memory_space<vmem>>) target_semaphore(%run_scoped3A : memref<!tpu.dma_semaphore, #tpu.memory_space<semaphore_mem>>)
      %dma_wait3A_99 = tpu.memref_slice %arg3[%mul3A_2] : memref<8192xi32, #tpu.memory_space<hbm>> -> memref<256xi32, #tpu.memory_space<hbm>>
      %dma_wait3A_100 = tpu.memref_slice %arg3[%mul3A_2] : memref<8192xi32, #tpu.memory_space<hbm>> -> memref<256xi32, #tpu.memory_space<hbm>>
      tpu.wait_dma2 semaphore(%run_scoped3A : memref<!tpu.dma_semaphore, #tpu.memory_space<semaphore_mem>>) src(%dma_wait3A_100 : memref<256xi32, #tpu.memory_space<hbm>>) dst(%arg5 : memref<256xi32, #tpu.memory_space<vmem>>)
      tpu.yield
    }) : () -> ()
    %dma_start3A = arith.constant 0 : i32
    %dma_start3A_3 = tpu.memref_slice %arg5[%dma_start3A] : memref<256xi32, #tpu.memory_space<vmem>> -> memref<32xi32, #tpu.memory_space<vmem>>
    %dma_start3A_4 = arith.constant 0 : i32
    %dma_start3A_5 = arith.constant 0 : i32
    %dma_start3A_6 = tpu.memref_slice %arg2[%dma_start3A_4, %dma_start3A_5] : memref<2048x1024xf32, #tpu.memory_space<hbm>> -> memref<2048x1024xf32, #tpu.memory_space<hbm>>
    tpu.enqueue_indirect_dma source(%dma_start3A_6 : memref<2048x1024xf32, #tpu.memory_space<hbm>>) target(%arg6 : memref<32x1024xf32, #tpu.memory_space<vmem>>) offsets(%dma_start3A_3 : memref<32xi32, #tpu.memory_space<vmem>>) semaphore(%arg8 : memref<!tpu.dma_semaphore, #tpu.memory_space<semaphore_mem>>)
    %dma_start3A_7 = arith.constant 32 : i32
    %dma_start3A_8 = tpu.memref_slice %arg5[%dma_start3A_7] : memref<256xi32, #tpu.memory_space<vmem>> -> memref<32xi32, #tpu.memory_space<vmem>>
    %dma_start3A_9 = arith.constant 0 : i32
    %dma_start3A_10 = arith.constant 0 : i32
    %dma_start3A_11 = tpu.memref_slice %arg2[%dma_start3A_9, %dma_start3A_10] : memref<2048x1024xf32, #tpu.memory_space<hbm>> -> memref<2048x1024xf32, #tpu.memory_space<hbm>>
    tpu.enqueue_indirect_dma source(%dma_start3A_11 : memref<2048x1024xf32, #tpu.memory_space<hbm>>) target(%arg7 : memref<32x1024xf32, #tpu.memory_space<vmem>>) offsets(%dma_start3A_8 : memref<32xi32, #tpu.memory_space<vmem>>) semaphore(%arg9 : memref<!tpu.dma_semaphore, #tpu.memory_space<semaphore_mem>>)
    %dma_wait3A = arith.constant 0 : i32
    %dma_wait3A_12 = tpu.memref_slice %arg5[%dma_wait3A] : memref<256xi32, #tpu.memory_space<vmem>> -> memref<32xi32, #tpu.memory_space<vmem>>
    %dma_wait3A_13 = arith.constant 0 : i32
    %dma_wait3A_14 = arith.constant 0 : i32
    %dma_wait3A_15 = tpu.memref_slice %arg2[%dma_wait3A_13, %dma_wait3A_14] : memref<2048x1024xf32, #tpu.memory_space<hbm>> -> memref<2048x1024xf32, #tpu.memory_space<hbm>>
    tpu.wait_indirect_dma semaphore(%arg8 : memref<!tpu.dma_semaphore, #tpu.memory_space<semaphore_mem>>) src(%dma_wait3A_15 : memref<2048x1024xf32, #tpu.memory_space<hbm>>) dst(%arg6 : memref<32x1024xf32, #tpu.memory_space<vmem>>)
    %add3A_16 = arith.constant 0 : i32
    %add3A_17 = arith.addi %mul3A_2, %add3A_16 : i32
    "tpu.region"() ({
      %run_scoped3A = tpu.sem_alloc : memref<!tpu.dma_semaphore, #tpu.memory_space<semaphore_mem>>
      %dma_start3A_97 = arith.constant 0 : i32
      %dma_start3A_98 = tpu.memref_slice %arg4[%add3A_17, %dma_start3A_97] : memref<8192x1024xf32, #tpu.memory_space<hbm>> -> memref<32x1024xf32, #tpu.memory_space<hbm>>
      %dma_start3A_99 = arith.constant 0 : i32
      %dma_start3A_100 = tpu.memref_slice %arg4[%add3A_17, %dma_start3A_99] : memref<8192x1024xf32, #tpu.memory_space<hbm>> -> memref<32x1024xf32, #tpu.memory_space<hbm>>
      tpu.enqueue_dma source(%arg6 : memref<32x1024xf32, #tpu.memory_space<vmem>>) target(%dma_start3A_100 : memref<32x1024xf32, #tpu.memory_space<hbm>>) target_semaphore(%run_scoped3A : memref<!tpu.dma_semaphore, #tpu.memory_space<semaphore_mem>>)
      %dma_wait3A_101 = arith.constant 0 : i32
      %dma_wait3A_102 = tpu.memref_slice %arg4[%add3A_17, %dma_wait3A_101] : memref<8192x1024xf32, #tpu.memory_space<hbm>> -> memref<32x1024xf32, #tpu.memory_space<hbm>>
      %dma_wait3A_103 = arith.constant 0 : i32
      %dma_wait3A_104 = tpu.memref_slice %arg4[%add3A_17, %dma_wait3A_103] : memref<8192x1024xf32, #tpu.memory_space<hbm>> -> memref<32x1024xf32, #tpu.memory_space<hbm>>
      tpu.wait_dma2 semaphore(%run_scoped3A : memref<!tpu.dma_semaphore, #tpu.memory_space<semaphore_mem>>) src(%arg6 : memref<32x1024xf32, #tpu.memory_space<vmem>>) dst(%dma_wait3A_104 : memref<32x1024xf32, #tpu.memory_space<hbm>>)
      tpu.yield
    }) : () -> ()
    %dma_start3A_18 = arith.constant 64 : i32
    %dma_start3A_19 = tpu.memref_slice %arg5[%dma_start3A_18] : memref<256xi32, #tpu.memory_space<vmem>> -> memref<32xi32, #tpu.memory_space<vmem>>
    %dma_start3A_20 = arith.constant 0 : i32
    %dma_start3A_21 = arith.constant 0 : i32
    %dma_start3A_22 = tpu.memref_slice %arg2[%dma_start3A_20, %dma_start3A_21] : memref<2048x1024xf32, #tpu.memory_space<hbm>> -> memref<2048x1024xf32, #tpu.memory_space<hbm>>
    tpu.enqueue_indirect_dma source(%dma_start3A_22 : memref<2048x1024xf32, #tpu.memory_space<hbm>>) target(%arg6 : memref<32x1024xf32, #tpu.memory_space<vmem>>) offsets(%dma_start3A_19 : memref<32xi32, #tpu.memory_space<vmem>>) semaphore(%arg8 : memref<!tpu.dma_semaphore, #tpu.memory_space<semaphore_mem>>)
    %dma_wait3A_23 = arith.constant 32 : i32
    %dma_wait3A_24 = tpu.memref_slice %arg5[%dma_wait3A_23] : memref<256xi32, #tpu.memory_space<vmem>> -> memref<32xi32, #tpu.memory_space<vmem>>
    %dma_wait3A_25 = arith.constant 0 : i32
    %dma_wait3A_26 = arith.constant 0 : i32
    %dma_wait3A_27 = tpu.memref_slice %arg2[%dma_wait3A_25, %dma_wait3A_26] : memref<2048x1024xf32, #tpu.memory_space<hbm>> -> memref<2048x1024xf32, #tpu.memory_space<hbm>>
    tpu.wait_indirect_dma semaphore(%arg9 : memref<!tpu.dma_semaphore, #tpu.memory_space<semaphore_mem>>) src(%dma_wait3A_27 : memref<2048x1024xf32, #tpu.memory_space<hbm>>) dst(%arg7 : memref<32x1024xf32, #tpu.memory_space<vmem>>)
    %add3A_28 = arith.constant 32 : i32
    %add3A_29 = arith.addi %mul3A_2, %add3A_28 : i32
    "tpu.region"() ({
      %run_scoped3A = tpu.sem_alloc : memref<!tpu.dma_semaphore, #tpu.memory_space<semaphore_mem>>
      %dma_start3A_97 = arith.constant 0 : i32
      %dma_start3A_98 = tpu.memref_slice %arg4[%add3A_29, %dma_start3A_97] : memref<8192x1024xf32, #tpu.memory_space<hbm>> -> memref<32x1024xf32, #tpu.memory_space<hbm>>
      %dma_start3A_99 = arith.constant 0 : i32
      %dma_start3A_100 = tpu.memref_slice %arg4[%add3A_29, %dma_start3A_99] : memref<8192x1024xf32, #tpu.memory_space<hbm>> -> memref<32x1024xf32, #tpu.memory_space<hbm>>
      tpu.enqueue_dma source(%arg7 : memref<32x1024xf32, #tpu.memory_space<vmem>>) target(%dma_start3A_100 : memref<32x1024xf32, #tpu.memory_space<hbm>>) target_semaphore(%run_scoped3A : memref<!tpu.dma_semaphore, #tpu.memory_space<semaphore_mem>>)
      %dma_wait3A_101 = arith.constant 0 : i32
      %dma_wait3A_102 = tpu.memref_slice %arg4[%add3A_29, %dma_wait3A_101] : memref<8192x1024xf32, #tpu.memory_space<hbm>> -> memref<32x1024xf32, #tpu.memory_space<hbm>>
      %dma_wait3A_103 = arith.constant 0 : i32
      %dma_wait3A_104 = tpu.memref_slice %arg4[%add3A_29, %dma_wait3A_103] : memref<8192x1024xf32, #tpu.memory_space<hbm>> -> memref<32x1024xf32, #tpu.memory_space<hbm>>
      tpu.wait_dma2 semaphore(%run_scoped3A : memref<!tpu.dma_semaphore, #tpu.memory_space<semaphore_mem>>) src(%arg7 : memref<32x1024xf32, #tpu.memory_space<vmem>>) dst(%dma_wait3A_104 : memref<32x1024xf32, #tpu.memory_space<hbm>>)
      tpu.yield
    }) : () -> ()
    %dma_start3A_30 = arith.constant 96 : i32
    %dma_start3A_31 = tpu.memref_slice %arg5[%dma_start3A_30] : memref<256xi32, #tpu.memory_space<vmem>> -> memref<32xi32, #tpu.memory_space<vmem>>
    %dma_start3A_32 = arith.constant 0 : i32
    %dma_start3A_33 = arith.constant 0 : i32
    %dma_start3A_34 = tpu.memref_slice %arg2[%dma_start3A_32, %dma_start3A_33] : memref<2048x1024xf32, #tpu.memory_space<hbm>> -> memref<2048x1024xf32, #tpu.memory_space<hbm>>
    tpu.enqueue_indirect_dma source(%dma_start3A_34 : memref<2048x1024xf32, #tpu.memory_space<hbm>>) target(%arg7 : memref<32x1024xf32, #tpu.memory_space<vmem>>) offsets(%dma_start3A_31 : memref<32xi32, #tpu.memory_space<vmem>>) semaphore(%arg9 : memref<!tpu.dma_semaphore, #tpu.memory_space<semaphore_mem>>)
    %dma_wait3A_35 = arith.constant 64 : i32
    %dma_wait3A_36 = tpu.memref_slice %arg5[%dma_wait3A_35] : memref<256xi32, #tpu.memory_space<vmem>> -> memref<32xi32, #tpu.memory_space<vmem>>
    %dma_wait3A_37 = arith.constant 0 : i32
    %dma_wait3A_38 = arith.constant 0 : i32
    %dma_wait3A_39 = tpu.memref_slice %arg2[%dma_wait3A_37, %dma_wait3A_38] : memref<2048x1024xf32, #tpu.memory_space<hbm>> -> memref<2048x1024xf32, #tpu.memory_space<hbm>>
    tpu.wait_indirect_dma semaphore(%arg8 : memref<!tpu.dma_semaphore, #tpu.memory_space<semaphore_mem>>) src(%dma_wait3A_39 : memref<2048x1024xf32, #tpu.memory_space<hbm>>) dst(%arg6 : memref<32x1024xf32, #tpu.memory_space<vmem>>)
    %add3A_40 = arith.constant 64 : i32
    %add3A_41 = arith.addi %mul3A_2, %add3A_40 : i32
    "tpu.region"() ({
      %run_scoped3A = tpu.sem_alloc : memref<!tpu.dma_semaphore, #tpu.memory_space<semaphore_mem>>
      %dma_start3A_97 = arith.constant 0 : i32
      %dma_start3A_98 = tpu.memref_slice %arg4[%add3A_41, %dma_start3A_97] : memref<8192x1024xf32, #tpu.memory_space<hbm>> -> memref<32x1024xf32, #tpu.memory_space<hbm>>
      %dma_start3A_99 = arith.constant 0 : i32
      %dma_start3A_100 = tpu.memref_slice %arg4[%add3A_41, %dma_start3A_99] : memref<8192x1024xf32, #tpu.memory_space<hbm>> -> memref<32x1024xf32, #tpu.memory_space<hbm>>
      tpu.enqueue_dma source(%arg6 : memref<32x1024xf32, #tpu.memory_space<vmem>>) target(%dma_start3A_100 : memref<32x1024xf32, #tpu.memory_space<hbm>>) target_semaphore(%run_scoped3A : memref<!tpu.dma_semaphore, #tpu.memory_space<semaphore_mem>>)
      %dma_wait3A_101 = arith.constant 0 : i32
      %dma_wait3A_102 = tpu.memref_slice %arg4[%add3A_41, %dma_wait3A_101] : memref<8192x1024xf32, #tpu.memory_space<hbm>> -> memref<32x1024xf32, #tpu.memory_space<hbm>>
      %dma_wait3A_103 = arith.constant 0 : i32
      %dma_wait3A_104 = tpu.memref_slice %arg4[%add3A_41, %dma_wait3A_103] : memref<8192x1024xf32, #tpu.memory_space<hbm>> -> memref<32x1024xf32, #tpu.memory_space<hbm>>
      tpu.wait_dma2 semaphore(%run_scoped3A : memref<!tpu.dma_semaphore, #tpu.memory_space<semaphore_mem>>) src(%arg6 : memref<32x1024xf32, #tpu.memory_space<vmem>>) dst(%dma_wait3A_104 : memref<32x1024xf32, #tpu.memory_space<hbm>>)
      tpu.yield
    }) : () -> ()
    %dma_start3A_42 = arith.constant 128 : i32
    %dma_start3A_43 = tpu.memref_slice %arg5[%dma_start3A_42] : memref<256xi32, #tpu.memory_space<vmem>> -> memref<32xi32, #tpu.memory_space<vmem>>
    %dma_start3A_44 = arith.constant 0 : i32
    %dma_start3A_45 = arith.constant 0 : i32
    %dma_start3A_46 = tpu.memref_slice %arg2[%dma_start3A_44, %dma_start3A_45] : memref<2048x1024xf32, #tpu.memory_space<hbm>> -> memref<2048x1024xf32, #tpu.memory_space<hbm>>
    tpu.enqueue_indirect_dma source(%dma_start3A_46 : memref<2048x1024xf32, #tpu.memory_space<hbm>>) target(%arg6 : memref<32x1024xf32, #tpu.memory_space<vmem>>) offsets(%dma_start3A_43 : memref<32xi32, #tpu.memory_space<vmem>>) semaphore(%arg8 : memref<!tpu.dma_semaphore, #tpu.memory_space<semaphore_mem>>)
    %dma_wait3A_47 = arith.constant 96 : i32
    %dma_wait3A_48 = tpu.memref_slice %arg5[%dma_wait3A_47] : memref<256xi32, #tpu.memory_space<vmem>> -> memref<32xi32, #tpu.memory_space<vmem>>
    %dma_wait3A_49 = arith.constant 0 : i32
    %dma_wait3A_50 = arith.constant 0 : i32
    %dma_wait3A_51 = tpu.memref_slice %arg2[%dma_wait3A_49, %dma_wait3A_50] : memref<2048x1024xf32, #tpu.memory_space<hbm>> -> memref<2048x1024xf32, #tpu.memory_space<hbm>>
    tpu.wait_indirect_dma semaphore(%arg9 : memref<!tpu.dma_semaphore, #tpu.memory_space<semaphore_mem>>) src(%dma_wait3A_51 : memref<2048x1024xf32, #tpu.memory_space<hbm>>) dst(%arg7 : memref<32x1024xf32, #tpu.memory_space<vmem>>)
    %add3A_52 = arith.constant 96 : i32
    %add3A_53 = arith.addi %mul3A_2, %add3A_52 : i32
    "tpu.region"() ({
      %run_scoped3A = tpu.sem_alloc : memref<!tpu.dma_semaphore, #tpu.memory_space<semaphore_mem>>
      %dma_start3A_97 = arith.constant 0 : i32
      %dma_start3A_98 = tpu.memref_slice %arg4[%add3A_53, %dma_start3A_97] : memref<8192x1024xf32, #tpu.memory_space<hbm>> -> memref<32x1024xf32, #tpu.memory_space<hbm>>
      %dma_start3A_99 = arith.constant 0 : i32
      %dma_start3A_100 = tpu.memref_slice %arg4[%add3A_53, %dma_start3A_99] : memref<8192x1024xf32, #tpu.memory_space<hbm>> -> memref<32x1024xf32, #tpu.memory_space<hbm>>
      tpu.enqueue_dma source(%arg7 : memref<32x1024xf32, #tpu.memory_space<vmem>>) target(%dma_start3A_100 : memref<32x1024xf32, #tpu.memory_space<hbm>>) target_semaphore(%run_scoped3A : memref<!tpu.dma_semaphore, #tpu.memory_space<semaphore_mem>>)
      %dma_wait3A_101 = arith.constant 0 : i32
      %dma_wait3A_102 = tpu.memref_slice %arg4[%add3A_53, %dma_wait3A_101] : memref<8192x1024xf32, #tpu.memory_space<hbm>> -> memref<32x1024xf32, #tpu.memory_space<hbm>>
      %dma_wait3A_103 = arith.constant 0 : i32
      %dma_wait3A_104 = tpu.memref_slice %arg4[%add3A_53, %dma_wait3A_103] : memref<8192x1024xf32, #tpu.memory_space<hbm>> -> memref<32x1024xf32, #tpu.memory_space<hbm>>
      tpu.wait_dma2 semaphore(%run_scoped3A : memref<!tpu.dma_semaphore, #tpu.memory_space<semaphore_mem>>) src(%arg7 : memref<32x1024xf32, #tpu.memory_space<vmem>>) dst(%dma_wait3A_104 : memref<32x1024xf32, #tpu.memory_space<hbm>>)
      tpu.yield
    }) : () -> ()
    %dma_start3A_54 = arith.constant 160 : i32
    %dma_start3A_55 = tpu.memref_slice %arg5[%dma_start3A_54] : memref<256xi32, #tpu.memory_space<vmem>> -> memref<32xi32, #tpu.memory_space<vmem>>
    %dma_start3A_56 = arith.constant 0 : i32
    %dma_start3A_57 = arith.constant 0 : i32
    %dma_start3A_58 = tpu.memref_slice %arg2[%dma_start3A_56, %dma_start3A_57] : memref<2048x1024xf32, #tpu.memory_space<hbm>> -> memref<2048x1024xf32, #tpu.memory_space<hbm>>
    tpu.enqueue_indirect_dma source(%dma_start3A_58 : memref<2048x1024xf32, #tpu.memory_space<hbm>>) target(%arg7 : memref<32x1024xf32, #tpu.memory_space<vmem>>) offsets(%dma_start3A_55 : memref<32xi32, #tpu.memory_space<vmem>>) semaphore(%arg9 : memref<!tpu.dma_semaphore, #tpu.memory_space<semaphore_mem>>)
    %dma_wait3A_59 = arith.constant 128 : i32
    %dma_wait3A_60 = tpu.memref_slice %arg5[%dma_wait3A_59] : memref<256xi32, #tpu.memory_space<vmem>> -> memref<32xi32, #tpu.memory_space<vmem>>
    %dma_wait3A_61 = arith.constant 0 : i32
    %dma_wait3A_62 = arith.constant 0 : i32
    %dma_wait3A_63 = tpu.memref_slice %arg2[%dma_wait3A_61, %dma_wait3A_62] : memref<2048x1024xf32, #tpu.memory_space<hbm>> -> memref<2048x1024xf32, #tpu.memory_space<hbm>>
    tpu.wait_indirect_dma semaphore(%arg8 : memref<!tpu.dma_semaphore, #tpu.memory_space<semaphore_mem>>) src(%dma_wait3A_63 : memref<2048x1024xf32, #tpu.memory_space<hbm>>) dst(%arg6 : memref<32x1024xf32, #tpu.memory_space<vmem>>)
    %add3A_64 = arith.constant 128 : i32
    %add3A_65 = arith.addi %mul3A_2, %add3A_64 : i32
    "tpu.region"() ({
      %run_scoped3A = tpu.sem_alloc : memref<!tpu.dma_semaphore, #tpu.memory_space<semaphore_mem>>
      %dma_start3A_97 = arith.constant 0 : i32
      %dma_start3A_98 = tpu.memref_slice %arg4[%add3A_65, %dma_start3A_97] : memref<8192x1024xf32, #tpu.memory_space<hbm>> -> memref<32x1024xf32, #tpu.memory_space<hbm>>
      %dma_start3A_99 = arith.constant 0 : i32
      %dma_start3A_100 = tpu.memref_slice %arg4[%add3A_65, %dma_start3A_99] : memref<8192x1024xf32, #tpu.memory_space<hbm>> -> memref<32x1024xf32, #tpu.memory_space<hbm>>
      tpu.enqueue_dma source(%arg6 : memref<32x1024xf32, #tpu.memory_space<vmem>>) target(%dma_start3A_100 : memref<32x1024xf32, #tpu.memory_space<hbm>>) target_semaphore(%run_scoped3A : memref<!tpu.dma_semaphore, #tpu.memory_space<semaphore_mem>>)
      %dma_wait3A_101 = arith.constant 0 : i32
      %dma_wait3A_102 = tpu.memref_slice %arg4[%add3A_65, %dma_wait3A_101] : memref<8192x1024xf32, #tpu.memory_space<hbm>> -> memref<32x1024xf32, #tpu.memory_space<hbm>>
      %dma_wait3A_103 = arith.constant 0 : i32
      %dma_wait3A_104 = tpu.memref_slice %arg4[%add3A_65, %dma_wait3A_103] : memref<8192x1024xf32, #tpu.memory_space<hbm>> -> memref<32x1024xf32, #tpu.memory_space<hbm>>
      tpu.wait_dma2 semaphore(%run_scoped3A : memref<!tpu.dma_semaphore, #tpu.memory_space<semaphore_mem>>) src(%arg6 : memref<32x1024xf32, #tpu.memory_space<vmem>>) dst(%dma_wait3A_104 : memref<32x1024xf32, #tpu.memory_space<hbm>>)
      tpu.yield
    }) : () -> ()
    %dma_start3A_66 = arith.constant 192 : i32
    %dma_start3A_67 = tpu.memref_slice %arg5[%dma_start3A_66] : memref<256xi32, #tpu.memory_space<vmem>> -> memref<32xi32, #tpu.memory_space<vmem>>
    %dma_start3A_68 = arith.constant 0 : i32
    %dma_start3A_69 = arith.constant 0 : i32
    %dma_start3A_70 = tpu.memref_slice %arg2[%dma_start3A_68, %dma_start3A_69] : memref<2048x1024xf32, #tpu.memory_space<hbm>> -> memref<2048x1024xf32, #tpu.memory_space<hbm>>
    tpu.enqueue_indirect_dma source(%dma_start3A_70 : memref<2048x1024xf32, #tpu.memory_space<hbm>>) target(%arg6 : memref<32x1024xf32, #tpu.memory_space<vmem>>) offsets(%dma_start3A_67 : memref<32xi32, #tpu.memory_space<vmem>>) semaphore(%arg8 : memref<!tpu.dma_semaphore, #tpu.memory_space<semaphore_mem>>)
    %dma_wait3A_71 = arith.constant 160 : i32
    %dma_wait3A_72 = tpu.memref_slice %arg5[%dma_wait3A_71] : memref<256xi32, #tpu.memory_space<vmem>> -> memref<32xi32, #tpu.memory_space<vmem>>
    %dma_wait3A_73 = arith.constant 0 : i32
    %dma_wait3A_74 = arith.constant 0 : i32
    %dma_wait3A_75 = tpu.memref_slice %arg2[%dma_wait3A_73, %dma_wait3A_74] : memref<2048x1024xf32, #tpu.memory_space<hbm>> -> memref<2048x1024xf32, #tpu.memory_space<hbm>>
    tpu.wait_indirect_dma semaphore(%arg9 : memref<!tpu.dma_semaphore, #tpu.memory_space<semaphore_mem>>) src(%dma_wait3A_75 : memref<2048x1024xf32, #tpu.memory_space<hbm>>) dst(%arg7 : memref<32x1024xf32, #tpu.memory_space<vmem>>)
    %add3A_76 = arith.constant 160 : i32
    %add3A_77 = arith.addi %mul3A_2, %add3A_76 : i32
    "tpu.region"() ({
      %run_scoped3A = tpu.sem_alloc : memref<!tpu.dma_semaphore, #tpu.memory_space<semaphore_mem>>
      %dma_start3A_97 = arith.constant 0 : i32
      %dma_start3A_98 = tpu.memref_slice %arg4[%add3A_77, %dma_start3A_97] : memref<8192x1024xf32, #tpu.memory_space<hbm>> -> memref<32x1024xf32, #tpu.memory_space<hbm>>
      %dma_start3A_99 = arith.constant 0 : i32
      %dma_start3A_100 = tpu.memref_slice %arg4[%add3A_77, %dma_start3A_99] : memref<8192x1024xf32, #tpu.memory_space<hbm>> -> memref<32x1024xf32, #tpu.memory_space<hbm>>
      tpu.enqueue_dma source(%arg7 : memref<32x1024xf32, #tpu.memory_space<vmem>>) target(%dma_start3A_100 : memref<32x1024xf32, #tpu.memory_space<hbm>>) target_semaphore(%run_scoped3A : memref<!tpu.dma_semaphore, #tpu.memory_space<semaphore_mem>>)
      %dma_wait3A_101 = arith.constant 0 : i32
      %dma_wait3A_102 = tpu.memref_slice %arg4[%add3A_77, %dma_wait3A_101] : memref<8192x1024xf32, #tpu.memory_space<hbm>> -> memref<32x1024xf32, #tpu.memory_space<hbm>>
      %dma_wait3A_103 = arith.constant 0 : i32
      %dma_wait3A_104 = tpu.memref_slice %arg4[%add3A_77, %dma_wait3A_103] : memref<8192x1024xf32, #tpu.memory_space<hbm>> -> memref<32x1024xf32, #tpu.memory_space<hbm>>
      tpu.wait_dma2 semaphore(%run_scoped3A : memref<!tpu.dma_semaphore, #tpu.memory_space<semaphore_mem>>) src(%arg7 : memref<32x1024xf32, #tpu.memory_space<vmem>>) dst(%dma_wait3A_104 : memref<32x1024xf32, #tpu.memory_space<hbm>>)
      tpu.yield
    }) : () -> ()
    %dma_start3A_78 = arith.constant 224 : i32
    %dma_start3A_79 = tpu.memref_slice %arg5[%dma_start3A_78] : memref<256xi32, #tpu.memory_space<vmem>> -> memref<32xi32, #tpu.memory_space<vmem>>
    %dma_start3A_80 = arith.constant 0 : i32
    %dma_start3A_81 = arith.constant 0 : i32
    %dma_start3A_82 = tpu.memref_slice %arg2[%dma_start3A_80, %dma_start3A_81] : memref<2048x1024xf32, #tpu.memory_space<hbm>> -> memref<2048x1024xf32, #tpu.memory_space<hbm>>
    tpu.enqueue_indirect_dma source(%dma_start3A_82 : memref<2048x1024xf32, #tpu.memory_space<hbm>>) target(%arg7 : memref<32x1024xf32, #tpu.memory_space<vmem>>) offsets(%dma_start3A_79 : memref<32xi32, #tpu.memory_space<vmem>>) semaphore(%arg9 : memref<!tpu.dma_semaphore, #tpu.memory_space<semaphore_mem>>)
    %dma_wait3A_83 = arith.constant 192 : i32
    %dma_wait3A_84 = tpu.memref_slice %arg5[%dma_wait3A_83] : memref<256xi32, #tpu.memory_space<vmem>> -> memref<32xi32, #tpu.memory_space<vmem>>
    %dma_wait3A_85 = arith.constant 0 : i32
    %dma_wait3A_86 = arith.constant 0 : i32
    %dma_wait3A_87 = tpu.memref_slice %arg2[%dma_wait3A_85, %dma_wait3A_86] : memref<2048x1024xf32, #tpu.memory_space<hbm>> -> memref<2048x1024xf32, #tpu.memory_space<hbm>>
    tpu.wait_indirect_dma semaphore(%arg8 : memref<!tpu.dma_semaphore, #tpu.memory_space<semaphore_mem>>) src(%dma_wait3A_87 : memref<2048x1024xf32, #tpu.memory_space<hbm>>) dst(%arg6 : memref<32x1024xf32, #tpu.memory_space<vmem>>)
    %add3A_88 = arith.constant 192 : i32
    %add3A_89 = arith.addi %mul3A_2, %add3A_88 : i32
    "tpu.region"() ({
      %run_scoped3A = tpu.sem_alloc : memref<!tpu.dma_semaphore, #tpu.memory_space<semaphore_mem>>
      %dma_start3A_97 = arith.constant 0 : i32
      %dma_start3A_98 = tpu.memref_slice %arg4[%add3A_89, %dma_start3A_97] : memref<8192x1024xf32, #tpu.memory_space<hbm>> -> memref<32x1024xf32, #tpu.memory_space<hbm>>
      %dma_start3A_99 = arith.constant 0 : i32
      %dma_start3A_100 = tpu.memref_slice %arg4[%add3A_89, %dma_start3A_99] : memref<8192x1024xf32, #tpu.memory_space<hbm>> -> memref<32x1024xf32, #tpu.memory_space<hbm>>
      tpu.enqueue_dma source(%arg6 : memref<32x1024xf32, #tpu.memory_space<vmem>>) target(%dma_start3A_100 : memref<32x1024xf32, #tpu.memory_space<hbm>>) target_semaphore(%run_scoped3A : memref<!tpu.dma_semaphore, #tpu.memory_space<semaphore_mem>>)
      %dma_wait3A_101 = arith.constant 0 : i32
      %dma_wait3A_102 = tpu.memref_slice %arg4[%add3A_89, %dma_wait3A_101] : memref<8192x1024xf32, #tpu.memory_space<hbm>> -> memref<32x1024xf32, #tpu.memory_space<hbm>>
      %dma_wait3A_103 = arith.constant 0 : i32
      %dma_wait3A_104 = tpu.memref_slice %arg4[%add3A_89, %dma_wait3A_103] : memref<8192x1024xf32, #tpu.memory_space<hbm>> -> memref<32x1024xf32, #tpu.memory_space<hbm>>
      tpu.wait_dma2 semaphore(%run_scoped3A : memref<!tpu.dma_semaphore, #tpu.memory_space<semaphore_mem>>) src(%arg6 : memref<32x1024xf32, #tpu.memory_space<vmem>>) dst(%dma_wait3A_104 : memref<32x1024xf32, #tpu.memory_space<hbm>>)
      tpu.yield
    }) : () -> ()
    %dma_wait3A_90 = arith.constant 224 : i32
    %dma_wait3A_91 = tpu.memref_slice %arg5[%dma_wait3A_90] : memref<256xi32, #tpu.memory_space<vmem>> -> memref<32xi32, #tpu.memory_space<vmem>>
    %dma_wait3A_92 = arith.constant 0 : i32
    %dma_wait3A_93 = arith.constant 0 : i32
    %dma_wait3A_94 = tpu.memref_slice %arg2[%dma_wait3A_92, %dma_wait3A_93] : memref<2048x1024xf32, #tpu.memory_space<hbm>> -> memref<2048x1024xf32, #tpu.memory_space<hbm>>
    tpu.wait_indirect_dma semaphore(%arg9 : memref<!tpu.dma_semaphore, #tpu.memory_space<semaphore_mem>>) src(%dma_wait3A_94 : memref<2048x1024xf32, #tpu.memory_space<hbm>>) dst(%arg7 : memref<32x1024xf32, #tpu.memory_space<vmem>>)
    %add3A_95 = arith.constant 224 : i32
    %add3A_96 = arith.addi %mul3A_2, %add3A_95 : i32
    "tpu.region"() ({
      %run_scoped3A = tpu.sem_alloc : memref<!tpu.dma_semaphore, #tpu.memory_space<semaphore_mem>>
      %dma_start3A_97 = arith.constant 0 : i32
      %dma_start3A_98 = tpu.memref_slice %arg4[%add3A_96, %dma_start3A_97] : memref<8192x1024xf32, #tpu.memory_space<hbm>> -> memref<32x1024xf32, #tpu.memory_space<hbm>>
      %dma_start3A_99 = arith.constant 0 : i32
      %dma_start3A_100 = tpu.memref_slice %arg4[%add3A_96, %dma_start3A_99] : memref<8192x1024xf32, #tpu.memory_space<hbm>> -> memref<32x1024xf32, #tpu.memory_space<hbm>>
      tpu.enqueue_dma source(%arg7 : memref<32x1024xf32, #tpu.memory_space<vmem>>) target(%dma_start3A_100 : memref<32x1024xf32, #tpu.memory_space<hbm>>) target_semaphore(%run_scoped3A : memref<!tpu.dma_semaphore, #tpu.memory_space<semaphore_mem>>)
      %dma_wait3A_101 = arith.constant 0 : i32
      %dma_wait3A_102 = tpu.memref_slice %arg4[%add3A_96, %dma_wait3A_101] : memref<8192x1024xf32, #tpu.memory_space<hbm>> -> memref<32x1024xf32, #tpu.memory_space<hbm>>
      %dma_wait3A_103 = arith.constant 0 : i32
      %dma_wait3A_104 = tpu.memref_slice %arg4[%add3A_96, %dma_wait3A_103] : memref<8192x1024xf32, #tpu.memory_space<hbm>> -> memref<32x1024xf32, #tpu.memory_space<hbm>>
      tpu.wait_dma2 semaphore(%run_scoped3A : memref<!tpu.dma_semaphore, #tpu.memory_space<semaphore_mem>>) src(%arg7 : memref<32x1024xf32, #tpu.memory_space<vmem>>) dst(%dma_wait3A_104 : memref<32x1024xf32, #tpu.memory_space<hbm>>)
      tpu.yield
    }) : () -> ()
    return
  }
}

module attributes {stable_mosaic.version = 14 : i64} {
  func.func @_router_kernel(%arg0: memref<2048x16xf32, #tpu.memory_space<vmem>>, %arg1: memref<2048x16xf32, #tpu.memory_space<vmem>>, %arg2: memref<2048x16xf32, #tpu.memory_space<vmem>>) attributes {dimension_semantics = [], scalar_prefetch = 0 : i64, scratch_operands = 0 : i64, tpu.core_type = #tpu.core_type<tc>} {
    %get3A = arith.constant 0 : index
    %get3A_0 = arith.constant 0 : index
    %get3A_1 = vector.load %arg0[%get3A, %get3A_0] : memref<2048x16xf32, #tpu.memory_space<vmem>>, vector<2048x16xf32>
    %reduce_max3A = arith.constant dense<0xFF800000> : vector<2048xf32>
    %reduce_max3A_2 = vector.multi_reduction <maximumf>, %get3A_1, %reduce_max3A [1] : vector<2048x16xf32> to vector<2048xf32>
    %broadcast_in_dim3A = vector.shape_cast %reduce_max3A_2 : vector<2048xf32> to vector<2048x1xf32>
    %sub3A = vector.broadcast %broadcast_in_dim3A : vector<2048x1xf32> to vector<2048x16xf32>
    %sub3A_3 = arith.subf %get3A_1, %sub3A : vector<2048x16xf32>
    %exp3A = math.exp %sub3A_3 : vector<2048x16xf32>
    %reduce_sum3A = arith.constant dense<0.000000e+00> : vector<2048xf32>
    %reduce_sum3A_4 = vector.multi_reduction <add>, %exp3A, %reduce_sum3A [1] : vector<2048x16xf32> to vector<2048xf32>
    %broadcast_in_dim3A_5 = vector.shape_cast %reduce_sum3A_4 : vector<2048xf32> to vector<2048x1xf32>
    %div3A = vector.broadcast %broadcast_in_dim3A_5 : vector<2048x1xf32> to vector<2048x16xf32>
    %div3A_6 = arith.divf %exp3A, %div3A : vector<2048x16xf32>
    %iota3A = tpu.iota {dimensions = array<i32: 1>} : vector<2048x16xi32>
    %reduce_max3A_7 = arith.constant dense<0xFF800000> : vector<2048xf32>
    %reduce_max3A_8 = vector.multi_reduction <maximumf>, %div3A_6, %reduce_max3A_7 [1] : vector<2048x16xf32> to vector<2048xf32>
    %broadcast_in_dim3A_9 = vector.shape_cast %reduce_max3A_8 : vector<2048xf32> to vector<2048x1xf32>
    %eq3A = vector.broadcast %broadcast_in_dim3A_9 : vector<2048x1xf32> to vector<2048x16xf32>
    %eq3A_10 = arith.cmpf oeq, %div3A_6, %eq3A : vector<2048x16xf32>
    %jit3A = arith.constant 16 : i32
    %broadcast_in_dim3A_11 = vector.broadcast %jit3A : i32 to vector<2048x16xi32>
    %select_n3A = arith.select %eq3A_10, %iota3A, %broadcast_in_dim3A_11 : vector<2048x16xi1>, vector<2048x16xi32>
    %reduce_min3A = arith.constant dense<2147483647> : vector<2048xi32>
    %reduce_min3A_12 = vector.multi_reduction <minsi>, %select_n3A, %reduce_min3A [1] : vector<2048x16xi32> to vector<2048xi32>
    %broadcast_in_dim3A_13 = vector.shape_cast %reduce_min3A_12 : vector<2048xi32> to vector<2048x1xi32>
    %eq3A_14 = vector.broadcast %broadcast_in_dim3A_13 : vector<2048x1xi32> to vector<2048x16xi32>
    %eq3A_15 = arith.cmpi eq, %iota3A, %eq3A_14 : vector<2048x16xi32>
    %jit3A_16 = arith.constant -1.000000e+00 : f32
    %broadcast_in_dim3A_17 = vector.broadcast %jit3A_16 : f32 to vector<2048x16xf32>
    %select_n3A_18 = arith.select %eq3A_15, %broadcast_in_dim3A_17, %div3A_6 : vector<2048x16xi1>, vector<2048x16xf32>
    %reduce_max3A_19 = arith.constant dense<0xFF800000> : vector<2048xf32>
    %reduce_max3A_20 = vector.multi_reduction <maximumf>, %select_n3A_18, %reduce_max3A_19 [1] : vector<2048x16xf32> to vector<2048xf32>
    %broadcast_in_dim3A_21 = vector.shape_cast %reduce_max3A_20 : vector<2048xf32> to vector<2048x1xf32>
    %eq3A_22 = vector.broadcast %broadcast_in_dim3A_21 : vector<2048x1xf32> to vector<2048x16xf32>
    %eq3A_23 = arith.cmpf oeq, %select_n3A_18, %eq3A_22 : vector<2048x16xf32>
    %jit3A_24 = arith.constant 16 : i32
    %broadcast_in_dim3A_25 = vector.broadcast %jit3A_24 : i32 to vector<2048x16xi32>
    %select_n3A_26 = arith.select %eq3A_23, %iota3A, %broadcast_in_dim3A_25 : vector<2048x16xi1>, vector<2048x16xi32>
    %reduce_min3A_27 = arith.constant dense<2147483647> : vector<2048xi32>
    %reduce_min3A_28 = vector.multi_reduction <minsi>, %select_n3A_26, %reduce_min3A_27 [1] : vector<2048x16xi32> to vector<2048xi32>
    %broadcast_in_dim3A_29 = vector.shape_cast %reduce_min3A_28 : vector<2048xi32> to vector<2048x1xi32>
    %eq3A_30 = vector.broadcast %broadcast_in_dim3A_29 : vector<2048x1xi32> to vector<2048x16xi32>
    %eq3A_31 = arith.cmpi eq, %iota3A, %eq3A_30 : vector<2048x16xi32>
    %add3A = arith.addf %broadcast_in_dim3A_9, %broadcast_in_dim3A_21 : vector<2048x1xf32>
    %add3A_32 = arith.constant 9.99999997E-7 : f32
    %add3A_33 = vector.broadcast %add3A_32 : f32 to vector<2048x1xf32>
    %add3A_34 = arith.addf %add3A, %add3A_33 : vector<2048x1xf32>
    %jit3A_35 = arith.constant 0.000000e+00 : f32
    %broadcast_in_dim3A_36 = vector.shape_cast %broadcast_in_dim3A_9 : vector<2048x1xf32> to vector<2048x1xf32>
    %broadcast_in_dim3A_37 = vector.broadcast %broadcast_in_dim3A_36 : vector<2048x1xf32> to vector<2048x16xf32>
    %broadcast_in_dim3A_38 = vector.broadcast %jit3A_35 : f32 to vector<2048x16xf32>
    %select_n3A_39 = arith.select %eq3A_15, %broadcast_in_dim3A_37, %broadcast_in_dim3A_38 : vector<2048x16xi1>, vector<2048x16xf32>
    %jit3A_40 = arith.constant 0.000000e+00 : f32
    %broadcast_in_dim3A_41 = vector.shape_cast %broadcast_in_dim3A_21 : vector<2048x1xf32> to vector<2048x1xf32>
    %broadcast_in_dim3A_42 = vector.broadcast %broadcast_in_dim3A_41 : vector<2048x1xf32> to vector<2048x16xf32>
    %broadcast_in_dim3A_43 = vector.broadcast %jit3A_40 : f32 to vector<2048x16xf32>
    %select_n3A_44 = arith.select %eq3A_31, %broadcast_in_dim3A_42, %broadcast_in_dim3A_43 : vector<2048x16xi1>, vector<2048x16xf32>
    %add3A_45 = arith.addf %select_n3A_39, %select_n3A_44 : vector<2048x16xf32>
    %div3A_46 = vector.broadcast %add3A_34 : vector<2048x1xf32> to vector<2048x16xf32>
    %div3A_47 = arith.divf %add3A_45, %div3A_46 : vector<2048x16xf32>
    %swap3A = arith.constant 0 : index
    %swap3A_48 = arith.constant 0 : index
    %swap3A_49 = vector.load %arg1[%swap3A, %swap3A_48] : memref<2048x16xf32, #tpu.memory_space<vmem>>, vector<2048x16xf32>
    tpu.vector_store %arg1[%swap3A, %swap3A_48], %div3A_47 {strides = array<i32>} : memref<2048x16xf32, #tpu.memory_space<vmem>>, vector<2048x16xf32>,
    %or3A = arith.ori %eq3A_15, %eq3A_31 : vector<2048x16xi1>
    %jit3A_50 = arith.constant 1.000000e+00 : f32
    %jit3A_51 = arith.constant 0.000000e+00 : f32
    %broadcast_in_dim3A_52 = vector.broadcast %jit3A_50 : f32 to vector<2048x16xf32>
    %broadcast_in_dim3A_53 = vector.broadcast %jit3A_51 : f32 to vector<2048x16xf32>
    %select_n3A_54 = arith.select %or3A, %broadcast_in_dim3A_52, %broadcast_in_dim3A_53 : vector<2048x16xi1>, vector<2048x16xf32>
    %swap3A_55 = arith.constant 0 : index
    %swap3A_56 = arith.constant 0 : index
    %swap3A_57 = vector.load %arg2[%swap3A_55, %swap3A_56] : memref<2048x16xf32, #tpu.memory_space<vmem>>, vector<2048x16xf32>
    tpu.vector_store %arg2[%swap3A_55, %swap3A_56], %select_n3A_54 {strides = array<i32>} : memref<2048x16xf32, #tpu.memory_space<vmem>>, vector<2048x16xf32>,
    return
  }
}

module attributes {stable_mosaic.version = 14 : i64} {
  func.func @_ffn_kernel(%arg0: i32, %arg1: memref<32xi32, #tpu.memory_space<smem>>, %arg2: memref<256x1024xf32, #tpu.memory_space<vmem>>, %arg3: memref<1x1024x1024xf32, #tpu.memory_space<vmem>>, %arg4: memref<1x1024x1024xf32, #tpu.memory_space<vmem>>, %arg5: memref<1x1024x1024xf32, #tpu.memory_space<vmem>>, %arg6: memref<1x1x256xf32, #tpu.memory_space<vmem>>, %arg7: memref<256x1024xf32, #tpu.memory_space<vmem>>) attributes {dimension_semantics = [#tpu.dimension_semantics<arbitrary>], iteration_bounds = array<i64: 32>, scalar_prefetch = 1 : i64, scratch_operands = 0 : i64, tpu.core_type = #tpu.core_type<tc>, window_params = [{transform_indices = @transform_0, window_bounds = array<i64: 256, 1024>}, {transform_indices = @transform_1, window_bounds = array<i64: 1, 1024, 1024>}, {transform_indices = @transform_2, window_bounds = array<i64: 1, 1024, 1024>}, {transform_indices = @transform_3, window_bounds = array<i64: 1, 1024, 1024>}, {transform_indices = @transform_4, window_bounds = array<i64: 1, 1, 256>}, {transform_indices = @transform_5, window_bounds = array<i64: 256, 1024>}]} {
    %get3A = arith.constant 0 : index
    %get3A_0 = arith.constant 0 : index
    %get3A_1 = vector.load %arg2[%get3A, %get3A_0] : memref<256x1024xf32, #tpu.memory_space<vmem>>, vector<256x1024xf32>
    %convert_element_type3A = arith.truncf %get3A_1 : vector<256x1024xf32> to vector<256x1024xbf16>
    %get3A_2 = arith.constant 0 : index
    %get3A_3 = arith.constant 0 : index
    %get3A_4 = arith.constant 0 : index
    %get3A_5 = vector.load %arg3[%get3A_2, %get3A_3, %get3A_4] : memref<1x1024x1024xf32, #tpu.memory_space<vmem>>, vector<1x1024x1024xf32>
    %get3A_6 = vector.shape_cast %get3A_5 : vector<1x1024x1024xf32> to vector<1024x1024xf32>
    %convert_element_type3A_7 = arith.truncf %get3A_6 : vector<1024x1024xf32> to vector<1024x1024xbf16>
    %dot_general3A = arith.constant dense<0.000000e+00> : vector<256x1024xf32>
    %dot_general3A_8 = tpu.matmul %convert_element_type3A, %convert_element_type3A_7, %dot_general3A {dimension_numbers = #tpu.dot_dimension_numbers<[1], [1], [0], [0], [0, 0, 1, 0], [], []>, transpose_lhs_hint = false} : vector<256x1024xbf16>, vector<1024x1024xbf16>, vector<256x1024xf32> -> vector<256x1024xf32>
    %get3A_9 = arith.constant 0 : index
    %get3A_10 = arith.constant 0 : index
    %get3A_11 = arith.constant 0 : index
    %get3A_12 = vector.load %arg4[%get3A_9, %get3A_10, %get3A_11] : memref<1x1024x1024xf32, #tpu.memory_space<vmem>>, vector<1x1024x1024xf32>
    %get3A_13 = vector.shape_cast %get3A_12 : vector<1x1024x1024xf32> to vector<1024x1024xf32>
    %convert_element_type3A_14 = arith.truncf %get3A_13 : vector<1024x1024xf32> to vector<1024x1024xbf16>
    %dot_general3A_15 = arith.constant dense<0.000000e+00> : vector<256x1024xf32>
    %dot_general3A_16 = tpu.matmul %convert_element_type3A, %convert_element_type3A_14, %dot_general3A_15 {dimension_numbers = #tpu.dot_dimension_numbers<[1], [1], [0], [0], [0, 0, 1, 0], [], []>, transpose_lhs_hint = false} : vector<256x1024xbf16>, vector<1024x1024xbf16>, vector<256x1024xf32> -> vector<256x1024xf32>
    %logistic3A = arith.negf %dot_general3A_8 : vector<256x1024xf32>
    %logistic3A_17 = math.exp %logistic3A : vector<256x1024xf32>
    %logistic3A_18 = arith.constant 1.000000e+00 : f32
    %logistic3A_19 = vector.broadcast %logistic3A_18 : f32 to vector<256x1024xf32>
    %logistic3A_20 = arith.addf %logistic3A_19, %logistic3A_17 : vector<256x1024xf32>
    %logistic3A_21 = arith.divf %logistic3A_19, %logistic3A_20 : vector<256x1024xf32>
    %mul3A = arith.mulf %dot_general3A_8, %logistic3A_21 : vector<256x1024xf32>
    %mul3A_22 = arith.mulf %mul3A, %dot_general3A_16 : vector<256x1024xf32>
    %convert_element_type3A_23 = arith.truncf %mul3A_22 : vector<256x1024xf32> to vector<256x1024xbf16>
    %get3A_24 = arith.constant 0 : index
    %get3A_25 = arith.constant 0 : index
    %get3A_26 = arith.constant 0 : index
    %get3A_27 = vector.load %arg5[%get3A_24, %get3A_25, %get3A_26] : memref<1x1024x1024xf32, #tpu.memory_space<vmem>>, vector<1x1024x1024xf32>
    %get3A_28 = vector.shape_cast %get3A_27 : vector<1x1024x1024xf32> to vector<1024x1024xf32>
    %convert_element_type3A_29 = arith.truncf %get3A_28 : vector<1024x1024xf32> to vector<1024x1024xbf16>
    %dot_general3A_30 = arith.constant dense<0.000000e+00> : vector<256x1024xf32>
    %dot_general3A_31 = tpu.matmul %convert_element_type3A_23, %convert_element_type3A_29, %dot_general3A_30 {dimension_numbers = #tpu.dot_dimension_numbers<[1], [1], [0], [0], [0, 0, 1, 0], [], []>, transpose_lhs_hint = false} : vector<256x1024xbf16>, vector<1024x1024xbf16>, vector<256x1024xf32> -> vector<256x1024xf32>
    %get3A_32 = arith.constant 0 : index
    %get3A_33 = arith.constant 0 : index
    %get3A_34 = arith.constant 0 : index
    %get3A_35 = vector.load %arg6[%get3A_32, %get3A_33, %get3A_34] : memref<1x1x256xf32, #tpu.memory_space<vmem>>, vector<1x1x256xf32>
    %get3A_36 = vector.shape_cast %get3A_35 : vector<1x1x256xf32> to vector<256xf32>
    %broadcast_in_dim3A = vector.shape_cast %get3A_36 : vector<256xf32> to vector<256x1xf32>
    %mul3A_37 = vector.broadcast %broadcast_in_dim3A : vector<256x1xf32> to vector<256x1024xf32>
    %mul3A_38 = arith.mulf %dot_general3A_31, %mul3A_37 : vector<256x1024xf32>
    %swap3A = arith.constant 0 : index
    %swap3A_39 = arith.constant 0 : index
    %swap3A_40 = vector.load %arg7[%swap3A, %swap3A_39] : memref<256x1024xf32, #tpu.memory_space<vmem>>, vector<256x1024xf32>
    tpu.vector_store %arg7[%swap3A, %swap3A_39], %mul3A_38 {strides = array<i32>} : memref<256x1024xf32, #tpu.memory_space<vmem>>, vector<256x1024xf32>,
    return
  }
  func.func @transform_0(%arg0: i32, %arg1: memref<32xi32, #tpu.memory_space<smem>>) -> (i32, i32) {
    %c0_i32 = arith.constant 0 : i32
    %c0_i32_0 = arith.constant 0 : i32
    return %arg0, %c0_i32 : i32, i32
  }
  func.func @transform_1(%arg0: i32, %arg1: memref<32xi32, #tpu.memory_space<smem>>) -> (i32, i32, i32) {
    %get3A = arith.index_cast %arg0 : i32 to index
    %get3A_0 = memref.load %arg1[%get3A] : memref<32xi32, #tpu.memory_space<smem>>
    %c0_i32 = arith.constant 0 : i32
    %c0_i32_1 = arith.constant 0 : i32
    %c0_i32_2 = arith.constant 0 : i32
    return %get3A_0, %c0_i32, %c0_i32_1 : i32, i32, i32
  }
  func.func @transform_2(%arg0: i32, %arg1: memref<32xi32, #tpu.memory_space<smem>>) -> (i32, i32, i32) {
    %get3A = arith.index_cast %arg0 : i32 to index
    %get3A_0 = memref.load %arg1[%get3A] : memref<32xi32, #tpu.memory_space<smem>>
    %c0_i32 = arith.constant 0 : i32
    %c0_i32_1 = arith.constant 0 : i32
    %c0_i32_2 = arith.constant 0 : i32
    return %get3A_0, %c0_i32, %c0_i32_1 : i32, i32, i32
  }
  func.func @transform_3(%arg0: i32, %arg1: memref<32xi32, #tpu.memory_space<smem>>) -> (i32, i32, i32) {
    %get3A = arith.index_cast %arg0 : i32 to index
    %get3A_0 = memref.load %arg1[%get3A] : memref<32xi32, #tpu.memory_space<smem>>
    %c0_i32 = arith.constant 0 : i32
    %c0_i32_1 = arith.constant 0 : i32
    %c0_i32_2 = arith.constant 0 : i32
    return %get3A_0, %c0_i32, %c0_i32_1 : i32, i32, i32
  }
  func.func @transform_4(%arg0: i32, %arg1: memref<32xi32, #tpu.memory_space<smem>>) -> (i32, i32, i32) {
    %c0_i32 = arith.constant 0 : i32
    %c0_i32_0 = arith.constant 0 : i32
    %c0_i32_1 = arith.constant 0 : i32
    return %arg0, %c0_i32, %c0_i32_0 : i32, i32, i32
  }
  func.func @transform_5(%arg0: i32, %arg1: memref<32xi32, #tpu.memory_space<smem>>) -> (i32, i32) {
    %c0_i32 = arith.constant 0 : i32
    %c0_i32_0 = arith.constant 0 : i32
    return %arg0, %c0_i32 : i32, i32
  }
}

module attributes {stable_mosaic.version = 14 : i64} {
  func.func @_shared_kernel(%arg0: i32, %arg1: memref<512x1024xf32, #tpu.memory_space<vmem>>, %arg2: memref<2048x1024xf32, #tpu.memory_space<vmem>>, %arg3: memref<2048x1024xf32, #tpu.memory_space<vmem>>, %arg4: memref<1024x2048xf32, #tpu.memory_space<vmem>>, %arg5: memref<512x1024xf32, #tpu.memory_space<vmem>>) attributes {dimension_semantics = [#tpu.dimension_semantics<arbitrary>], iteration_bounds = array<i64: 4>, scalar_prefetch = 0 : i64, scratch_operands = 0 : i64, tpu.core_type = #tpu.core_type<tc>, window_params = [{transform_indices = @transform_0, window_bounds = array<i64: 512, 1024>}, {pipeline_mode = #tpu.pipeline_mode<synchronous>, transform_indices = @transform_1, window_bounds = array<i64: 2048, 1024>}, {pipeline_mode = #tpu.pipeline_mode<synchronous>, transform_indices = @transform_2, window_bounds = array<i64: 2048, 1024>}, {pipeline_mode = #tpu.pipeline_mode<synchronous>, transform_indices = @transform_3, window_bounds = array<i64: 1024, 2048>}, {transform_indices = @transform_4, window_bounds = array<i64: 512, 1024>}]} {
    %get3A = arith.constant 0 : index
    %get3A_0 = arith.constant 0 : index
    %get3A_1 = vector.load %arg1[%get3A, %get3A_0] : memref<512x1024xf32, #tpu.memory_space<vmem>>, vector<512x1024xf32>
    %convert_element_type3A = arith.truncf %get3A_1 : vector<512x1024xf32> to vector<512x1024xbf16>
    %get3A_2 = arith.constant 0 : index
    %get3A_3 = arith.constant 0 : index
    %get3A_4 = vector.load %arg2[%get3A_2, %get3A_3] : memref<2048x1024xf32, #tpu.memory_space<vmem>>, vector<2048x1024xf32>
    %convert_element_type3A_5 = arith.truncf %get3A_4 : vector<2048x1024xf32> to vector<2048x1024xbf16>
    %dot_general3A = arith.constant dense<0.000000e+00> : vector<512x2048xf32>
    %dot_general3A_6 = tpu.matmul %convert_element_type3A, %convert_element_type3A_5, %dot_general3A {dimension_numbers = #tpu.dot_dimension_numbers<[1], [1], [0], [0], [0, 0, 1, 0], [], []>, transpose_lhs_hint = false} : vector<512x1024xbf16>, vector<2048x1024xbf16>, vector<512x2048xf32> -> vector<512x2048xf32>
    %get3A_7 = arith.constant 0 : index
    %get3A_8 = arith.constant 0 : index
    %get3A_9 = vector.load %arg3[%get3A_7, %get3A_8] : memref<2048x1024xf32, #tpu.memory_space<vmem>>, vector<2048x1024xf32>
    %convert_element_type3A_10 = arith.truncf %get3A_9 : vector<2048x1024xf32> to vector<2048x1024xbf16>
    %dot_general3A_11 = arith.constant dense<0.000000e+00> : vector<512x2048xf32>
    %dot_general3A_12 = tpu.matmul %convert_element_type3A, %convert_element_type3A_10, %dot_general3A_11 {dimension_numbers = #tpu.dot_dimension_numbers<[1], [1], [0], [0], [0, 0, 1, 0], [], []>, transpose_lhs_hint = false} : vector<512x1024xbf16>, vector<2048x1024xbf16>, vector<512x2048xf32> -> vector<512x2048xf32>
    %logistic3A = arith.negf %dot_general3A_6 : vector<512x2048xf32>
    %logistic3A_13 = math.exp %logistic3A : vector<512x2048xf32>
    %logistic3A_14 = arith.constant 1.000000e+00 : f32
    %logistic3A_15 = vector.broadcast %logistic3A_14 : f32 to vector<512x2048xf32>
    %logistic3A_16 = arith.addf %logistic3A_15, %logistic3A_13 : vector<512x2048xf32>
    %logistic3A_17 = arith.divf %logistic3A_15, %logistic3A_16 : vector<512x2048xf32>
    %mul3A = arith.mulf %dot_general3A_6, %logistic3A_17 : vector<512x2048xf32>
    %mul3A_18 = arith.mulf %mul3A, %dot_general3A_12 : vector<512x2048xf32>
    %convert_element_type3A_19 = arith.truncf %mul3A_18 : vector<512x2048xf32> to vector<512x2048xbf16>
    %get3A_20 = arith.constant 0 : index
    %get3A_21 = arith.constant 0 : index
    %get3A_22 = vector.load %arg4[%get3A_20, %get3A_21] : memref<1024x2048xf32, #tpu.memory_space<vmem>>, vector<1024x2048xf32>
    %convert_element_type3A_23 = arith.truncf %get3A_22 : vector<1024x2048xf32> to vector<1024x2048xbf16>
    %dot_general3A_24 = arith.constant dense<0.000000e+00> : vector<512x1024xf32>
    %dot_general3A_25 = tpu.matmul %convert_element_type3A_19, %convert_element_type3A_23, %dot_general3A_24 {dimension_numbers = #tpu.dot_dimension_numbers<[1], [1], [0], [0], [0, 0, 1, 0], [], []>, transpose_lhs_hint = false} : vector<512x2048xbf16>, vector<1024x2048xbf16>, vector<512x1024xf32> -> vector<512x1024xf32>
    %swap3A = arith.constant 0 : index
    %swap3A_26 = arith.constant 0 : index
    %swap3A_27 = vector.load %arg5[%swap3A, %swap3A_26] : memref<512x1024xf32, #tpu.memory_space<vmem>>, vector<512x1024xf32>
    tpu.vector_store %arg5[%swap3A, %swap3A_26], %dot_general3A_25 {strides = array<i32>} : memref<512x1024xf32, #tpu.memory_space<vmem>>, vector<512x1024xf32>,
    return
  }
  func.func @transform_0(%arg0: i32) -> (i32, i32) {
    %c0_i32 = arith.constant 0 : i32
    %c0_i32_0 = arith.constant 0 : i32
    return %arg0, %c0_i32 : i32, i32
  }
  func.func @transform_1(%arg0: i32) -> (i32, i32) {
    %c0_i32 = arith.constant 0 : i32
    %c0_i32_0 = arith.constant 0 : i32
    %c0_i32_1 = arith.constant 0 : i32
    return %c0_i32, %c0_i32_0 : i32, i32
  }
  func.func @transform_2(%arg0: i32) -> (i32, i32) {
    %c0_i32 = arith.constant 0 : i32
    %c0_i32_0 = arith.constant 0 : i32
    %c0_i32_1 = arith.constant 0 : i32
    return %c0_i32, %c0_i32_0 : i32, i32
  }
  func.func @transform_3(%arg0: i32) -> (i32, i32) {
    %c0_i32 = arith.constant 0 : i32
    %c0_i32_0 = arith.constant 0 : i32
    %c0_i32_1 = arith.constant 0 : i32
    return %c0_i32, %c0_i32_0 : i32, i32
  }
  func.func @transform_4(%arg0: i32) -> (i32, i32) {
    %c0_i32 = arith.constant 0 : i32
    %c0_i32_0 = arith.constant 0 : i32
    return %arg0, %c0_i32 : i32, i32
  }
}

module attributes {stable_mosaic.version = 14 : i64} {
  func.func @_add3_kernel(%arg0: i32, %arg1: memref<512x1024xf32, #tpu.memory_space<vmem>>, %arg2: memref<512x1024xf32, #tpu.memory_space<vmem>>, %arg3: memref<512x1024xf32, #tpu.memory_space<vmem>>, %arg4: memref<512x1024xf32, #tpu.memory_space<vmem>>) attributes {dimension_semantics = [#tpu.dimension_semantics<arbitrary>], iteration_bounds = array<i64: 4>, scalar_prefetch = 0 : i64, scratch_operands = 0 : i64, tpu.core_type = #tpu.core_type<tc>, window_params = [{transform_indices = @transform_0, window_bounds = array<i64: 512, 1024>}, {transform_indices = @transform_1, window_bounds = array<i64: 512, 1024>}, {transform_indices = @transform_2, window_bounds = array<i64: 512, 1024>}, {transform_indices = @transform_3, window_bounds = array<i64: 512, 1024>}]} {
    %get3A = arith.constant 0 : index
    %get3A_0 = arith.constant 0 : index
    %get3A_1 = vector.load %arg1[%get3A, %get3A_0] : memref<512x1024xf32, #tpu.memory_space<vmem>>, vector<512x1024xf32>
    %get3A_2 = arith.constant 0 : index
    %get3A_3 = arith.constant 0 : index
    %get3A_4 = vector.load %arg2[%get3A_2, %get3A_3] : memref<512x1024xf32, #tpu.memory_space<vmem>>, vector<512x1024xf32>
    %add3A = arith.addf %get3A_1, %get3A_4 : vector<512x1024xf32>
    %get3A_5 = arith.constant 0 : index
    %get3A_6 = arith.constant 0 : index
    %get3A_7 = vector.load %arg3[%get3A_5, %get3A_6] : memref<512x1024xf32, #tpu.memory_space<vmem>>, vector<512x1024xf32>
    %add3A_8 = arith.addf %add3A, %get3A_7 : vector<512x1024xf32>
    %swap3A = arith.constant 0 : index
    %swap3A_9 = arith.constant 0 : index
    %swap3A_10 = vector.load %arg4[%swap3A, %swap3A_9] : memref<512x1024xf32, #tpu.memory_space<vmem>>, vector<512x1024xf32>
    tpu.vector_store %arg4[%swap3A, %swap3A_9], %add3A_8 {strides = array<i32>} : memref<512x1024xf32, #tpu.memory_space<vmem>>, vector<512x1024xf32>,
    return
  }
  func.func @transform_0(%arg0: i32) -> (i32, i32) {
    %c0_i32 = arith.constant 0 : i32
    %c0_i32_0 = arith.constant 0 : i32
    return %arg0, %c0_i32 : i32, i32
  }
  func.func @transform_1(%arg0: i32) -> (i32, i32) {
    %c0_i32 = arith.constant 0 : i32
    %c0_i32_0 = arith.constant 0 : i32
    return %arg0, %c0_i32 : i32, i32
  }
  func.func @transform_2(%arg0: i32) -> (i32, i32) {
    %c0_i32 = arith.constant 0 : i32
    %c0_i32_0 = arith.constant 0 : i32
    return %arg0, %c0_i32 : i32, i32
  }
  func.func @transform_3(%arg0: i32) -> (i32, i32) {
    %c0_i32 = arith.constant 0 : i32
    %c0_i32_0 = arith.constant 0 : i32
    return %arg0, %c0_i32 : i32, i32
  }
}

</mosaic_0001>

<sc_bundles>
// kernel: gather_offload_async_start.1
scs
__scs_entry_jumppad:
0x0: {  	(pc) =	sbr.rel $0x88, $3  }
0x1: {  	(tag) =	ssettag $0x0;
	lr =	simm.s32 $0x1  }
0x2: {  	[smem:$0x3F99] =	sst lr;
	_ =	strace $0xD0000000  }
0x3: {  	_ = 	snop  }
0x4: {  	_ = 	snop  }
0x5: {  	_ = 	snop  }
0x6: {  	_ = 	snop  }
0x7: {  	_ = 	snop  }
__scs_overlays_trampoline_lowered:
0x8: {  	[smem:$0x3FA8] =	sst s0  }
0x9: {  	[smem:$0x3FA9] =	sst s1  }
0xa: {  	[smem:$0x3FAA] =	sst s2  }
0xb: {  	[smem:$0x3FAB] =	sst s3  }
0xc: {  	[smem:$0x3FAC] =	sst s4  }
0xd: {  	[smem:$0x3FAD] =	sst s5  }
0xe: {  	[smem:$0x3FAE] =	sst s6  }
0xf: {  	[smem:$0x3FAF] =	sst s7  }
0x10: {  	[smem:$0x3FB0] =	sst s8  }
0x11: {  	[smem:$0x3FB1] =	sst s9;
	s0 =	simm.s32 @!p0 $0x0  }
0x12: {  	s1 =	sld [smem:$0x3F97];
	s0 =	simm.s32 @p0 $0x1  }
0x13: {  	[smem:$0x3FB2] =	sst s0;
	s0 =	simm.s32 @!p1 $0x0  }
0x14: {  	s2 =	sld [smem:$0x3F96];
	s0 =	simm.s32 @p1 $0x1  }
0x15: {  	[smem:$0x3FB3] =	sst s0;
	s0 =	simm.s32 @!p2 $0x0  }
0x16: {  	s3 =	sld [smem:$0x3FDB];
	s0 =	simm.s32 @p2 $0x1  }
0x17: {  	s4 =	simm.s32 $0x1BF5;
	[smem:$0x3FB5] =	sst s0  }
0x18: {  	s0 =	sld [smem:$0x3F98];
	_ =	swait.ge [sflag:s4], $0x0  }
0x19: {  	s7 =	sld [smem:$0x3F99]  }
0x1a: {  	s8 =	sadd.s32 $0xFFFFE003, lr  }
0x1b: {  	s9 =	sadd.s32 $0xFFFFFEF7, lr;
	s5 =	simm.s32 $0xFFFFFFFF;
	p2 =	slt.u32 s8, $0xFFFFF086  }
0x1c: {  	p1 =	slt.u32 s9, $0xF7A;
	s5 =	simm.s32 @!p2 $0x0  }
0x1d: {  	s5 =	simm.s32 @p1 $0x1;
	p0 =	seq.s32 s7, s2  }
0x1e: {  	s7 =	smul.u32 @!p0 $0xF7A, s2;
	p2 =	seq.s32 @!p0 s5, $0x0  }
0x1f: {  	s9 =	smul.u32 $0xF7A, s1;
	s8 =	simm.s32 @!p0 $0x1BF5;
	p2 =	por !p2, p0  }
0x20: {  	[sflag:s8] =	ssyncset.s32 @!p0 $0xFFFFF086;
	s6 =	sadd.s32 @!p0 s3, s7;
	s7 =	simm.s32 @!p0 $0x108  }
0x21: {  	s3 =	sadd.s32 s3, s9;
	s6 =	sadd.s32 @!p0 $0x88, s6;
	s7 =	simm.s32 @p2 $0x1082  }
0x22: {  	[simem:s7], [sflag:s8] =	dma.local @!p0 [hbm:s6], $0xF7A  }
0x23: {  	s9 =	sor.u32 $0xD0000000, s2;
	s6 =	simm.s32 $0x108;
	_ =	swait.ge @!p0 [sflag:s8], $0x0  }
0x24: {  	s3 =	sadd.s32 $0x88, s3;
	s6 =	simm.s32 @!p1 $0x1082;
	[sflag:s4] =	ssyncset.s32 $0xFFFFF086  }
0x25: {  	[simem:s6], [sflag:s4] =	dma.local [hbm:s3], $0xF7A  }
0x26: {  	[smem:$0x3F99] =	sst s1;
	(tag) =	ssettag s2;
	_ =	strace s9  }
0x27: {  	s1 =	sld [smem:$0x3FA9]  }
0x28: {  	s2 =	sld [smem:$0x3FAA]  }
0x29: {  	s4 =	sld [smem:$0x3FAC]  }
0x2a: {  	p0 =	seq.s32 s5, $0x0;
	s5 =	sld [smem:$0x3FAD]  }
0x2b: {  	s6 =	sld [smem:$0x3FAE]  }
0x2c: {  	s7 =	sld [smem:$0x3FAF]  }
0x2d: {  	s3 =	simm.s32 $0x108;
	s8 =	sld [smem:$0x3FB0]  }
0x2e: {  	s3 =	simm.s32 @!p0 $0x1082;
	s9 =	sld [smem:$0x3FB1]  }
0x2f: {  	lr =	sadd.s32 s0, s3;
	s0 =	sld [smem:$0x3FA8]  }
0x30: {  	s3 =	sld [smem:$0x3FAB]  }
0x31: {  	[smem:$0x3FB4] =	sst s10  }
0x32: {  	s10 =	sld [smem:$0x3FB2];
	_ =	sdelay $0x3  }
0x33: {  	p0 =	seq.s32 s10, $0x1;
	s10 =	sld [smem:$0x3FB4];
	_ =	sdelay $0x3  }
0x34: {  	[smem:$0x3FB4] =	sst s10  }
0x35: {  	s10 =	sld [smem:$0x3FB3];
	_ =	sdelay $0x3  }
0x36: {  	p1 =	seq.s32 s10, $0x1;
	s10 =	sld [smem:$0x3FB4];
	_ =	sdelay $0x3  }
0x37: {  	[smem:$0x3FB4] =	sst s10  }
0x38: {  	s10 =	sld [smem:$0x3FB5]  }
0x39: {  	_ = 	snop;
	(pc) =	sbr.ind lr, $3  }
0x3a: {  	_ = 	snop  }
0x3b: {  	_ = 	snop  }
0x3c: {  	p2 =	seq.s32 s10, $0x1;
	s10 =	sld [smem:$0x3FB4]  }
0x3d: {  	_ =	shalt  }
0x3e: {  	_ =	shalt  }
0x3f: {  	_ =	shalt  }
0x40: {  	_ =	shalt  }
0x41: {  	_ =	shalt  }
0x42: {  	_ =	shalt  }
0x43: {  	_ =	shalt  }
0x44: {  	_ =	shalt  }
0x45: {  	_ =	shalt  }
0x46: {  	_ =	shalt  }
0x47: {  	_ =	shalt  }
0x48: {  	_ =	shalt  }
0x49: {  	_ =	shalt  }
0x4a: {  	_ =	shalt  }
0x4b: {  	_ =	shalt  }
0x4c: {  	_ =	shalt  }
0x4d: {  	_ =	shalt  }
0x4e: {  	_ =	shalt  }
0x4f: {  	_ =	shalt  }
0x50: {  	_ =	shalt  }
0x51: {  	_ =	shalt  }
0x52: {  	_ =	shalt  }
0x53: {  	_ =	shalt  }
0x54: {  	_ =	shalt  }
0x55: {  	_ =	shalt  }
0x56: {  	_ =	shalt  }
0x57: {  	_ =	shalt  }
0x58: {  	_ =	shalt  }
0x59: {  	_ =	shalt  }
0x5a: {  	_ =	shalt  }
0x5b: {  	_ =	shalt  }
0x5c: {  	_ =	shalt  }
0x5d: {  	_ =	shalt  }
0x5e: {  	_ =	shalt  }
0x5f: {  	_ =	shalt  }
0x60: {  	_ =	shalt  }
0x61: {  	_ =	shalt  }
0x62: {  	_ =	shalt  }
0x63: {  	_ =	shalt  }
0x64: {  	_ =	shalt  }
0x65: {  	_ =	shalt  }
0x66: {  	_ =	shalt  }
0x67: {  	_ =	shalt  }
0x68: {  	_ =	shalt  }
0x69: {  	_ =	shalt  }
0x6a: {  	_ =	shalt  }
0x6b: {  	_ =	shalt  }
0x6c: {  	_ =	shalt  }
0x6d: {  	_ =	shalt  }
0x6e: {  	_ =	shalt  }
0x6f: {  	_ =	shalt  }
0x70: {  	_ =	shalt  }
0x71: {  	_ =	shalt  }
0x72: {  	_ =	shalt  }
0x73: {  	_ =	shalt  }
0x74: {  	_ =	shalt  }
0x75: {  	_ =	shalt  }
0x76: {  	_ =	shalt  }
0x77: {  	_ =	shalt  }
0x78: {  	_ =	shalt  }
0x79: {  	_ =	shalt  }
0x7a: {  	_ =	shalt  }
0x7b: {  	_ =	shalt  }
0x7c: {  	_ =	shalt  }
0x7d: {  	_ =	shalt  }
0x7e: {  	_ =	shalt  }
0x7f: {  	_ =	shalt  }
0x80: {  	_ =	shalt  }
0x81: {  	_ =	shalt  }
0x82: {  	_ =	shalt  }
0x83: {  	_ =	shalt  }
0x84: {  	_ =	shalt  }
0x85: {  	_ =	shalt  }
0x86: {  	_ =	shalt  }
0x87: {  	_ =	shalt  }
.Lfunc_end0:
.L_simem_size_0:
called_computation.1_lowered:
.L_overlay_start_0:
0x88: {  	s2 =	sld [smem:$0x3FD9]  }
0x89: {  	s3 =	sld [smem:$0x3FFE];
	_ =	sdelay $0x1  }
0x8a: {  	s1 =	srdreg.scid  }
0x8b: {  	s0 =	sand.u32 $0x1, s1  }
0x8c: {  	s15 =	sshll.u32 s0, $0xA;
	s2 =	sadd.s32 s3, s2  }
0x8d: {  	s2 =	sadd.s32 s2, s15  }
0x8e: {  	[smem:$0x3FC0] =	sst s2  }
0x8f: {  	_ = 	snop  }
0x90: {  	s2 =	sld [smem:$0x3FD0];
	_ =	sdelay $0x2  }
0x91: {  	s16 =	simm.s32 $0xC;
	s4 =	simm.s32 $0x10  }
0x92: {  	[smem:s4], [sflag:s16] =	dma.local [hbm:s2], $0x1  }
0x93: {  	_ =	swait.eq [sflag:s16], $0x1  }
0x94: {  	[sflag:s16] =	ssyncset.done $0x0  }
0x95: {  	[sflag:s16] =	ssyncadd.s32 $0xFFFFFFFF  }
0x96: {  	s17 =	sld [smem:$0x10];
	(tm) =	ssettm $0x1  }
0x97: {  	s18 =	sld [smem:$0x3FFB];
	_ =	sdelay $0x3  }
0x98: {  	_ =	strace s18  }
0x99: {  	s2 =	sld [smem:$0x3FFC];
	_ =	sdelay $0x3  }
0x9a: {  	_ =	strace s2  }
0x9b: {  	s2 =	sld [smem:$0x3FFD];
	_ =	sdelay $0x3  }
0x9c: {  	_ =	strace s2  }
0x9d: {  	_ =	strace $0x8FFFFFFF  }
0x9e: {  	s19 =	sld [smem:$0x3FDB];
	_ =	sdelay $0x1  }
0x9f: {  	s20 =	simm.s32 $_scs_section_size  }
0xa0: {  	s5 =	simm.s32 $_size__tile_overlayer_lowered;
	s6 =	simm.s32 $_tile_overlayer_lowered  }
0xa1: {  	s7 =	simm.s32 $0x1BFF;
	s21 =	sshll.u32 s6, $0x1;
	s4 =	sadd.s32 s20, s19  }
0xa2: {  	s22 =	simm.s32 $0x0;
	s5 =	sshll.u32 s5, $0x1;
	s6 =	sadd.s32 s21, s4  }
0xa3: {  	[timem:s22], [sflag:s7] =	dma.local [hbm:s6], s5  }
0xa4: {  	_ =	swait.ge [sflag:s7], s5  }
0xa5: {  	s5 =	ssub.s32 $0x0, s5;
	[sflag:s7] =	ssyncset.done $0x0  }
0xa6: {  	[sflag:s7] =	ssyncadd.s32 s5;
	_ =	sdelay $0x1  }
0xa7: {  	s23 =	simm.s32 $0x1B8B  }
0xa8: {  	_ =	swait.ge [sflag:s23], $0x1  }
0xa9: {  	[sflag:s23] =	ssyncset.done $0x0  }
0xaa: {  	[sflag:s23] =	ssyncadd.s32 $0xFFFFFFFF  }
0xab: {  	s5 =	sld [smem:$0x0]  }
0xac: {  	s6 =	sand.u32 $0xFFFFFFFE, s1  }
0xad: {  	p0 =	sne.s32 s1, s6  }
0xae: {  	s6 =	sshll.u32 @p0 s6, $0xE  }
0xaf: {  	s6 =	sadd.s32 @p0 $0x11B8D, s6;
	s7 =	sshll.u32 @p0 s5, $0x11  }
0xb0: {  	s6 =	sor.u32 @p0 s7, s6  }
0xb1: {  	[sflag:s6] =	ssyncadd.remote.s32 @p0 $0x1;
	_ =	sdelay $0x1  }
0xb2: {  	s6 =	simm.s32 @p0 $0x1B8D  }
0xb3: {  	_ =	swait.eq @p0 [sflag:s6], $0x1  }
0xb4: {  	[sflag:s6] =	ssyncadd.s32 @p0 $0xFFFFFFFF  }
0xb5: {  	s7 =	sshll.u32 @!p0 s1, $0xE  }
0xb6: {  	s7 =	sor.u32 @!p0 $0x4000, s7;
	s6 =	simm.s32 @!p0 $0x1B8D  }
0xb7: {  	s5 =	sshll.u32 @!p0 s5, $0x11;
	s7 =	sadd.s32 @!p0 $0x11B8D, s7;
	_ =	swait.eq @!p0 [sflag:s6], $0x1  }
0xb8: {  	s5 =	sor.u32 @!p0 s5, s7;
	[sflag:s6] =	ssyncadd.s32 @!p0 $0xFFFFFFFF  }
0xb9: {  	s25 =	simm.s32 $0x1B8E;
	s24 =	sld [smem:$0x3FFE];
	[sflag:s5] =	ssyncadd.remote.s32 @!p0 $0x1  }
0xba: {  	s26 =	simm.s32 $execute0_lowered;
	[smem:$0x3FD2] =	sst s25  }
0xbb: {  	s6 =	sshll.u32 s26, $0x1;
	_ =	strace $0x80000049;
	[dreg:$0x1] =	wrdreg $0xFFFFFFFF  }
0xbc: {  	s28 =	simm.s32 $_size_execute0_lowered;
	s4 =	sadd.s32 s4, s6;
	[dreg:$0x0] =	wrdreg $0x0  }
0xbd: {  	s6 =	sshll.u32 s28, $0x1;
	[dreg:$0x2] =	wrdreg s4  }
0xbe: {  	[dreg:$0x3] =	wrdreg s6  }
0xbf: {  	[dreg:$0x4] =	wrdreg $0xC0  }
0xc0: {  	_ =	task [dreg:s22], $0x5FFFF  }
0xc1: {  	[dreg:$0x1] =	wrdreg $0xFFFFFFFF  }
0xc2: {  	[dreg:$0x0] =	wrdreg $0x60  }
0xc3: {  	[dreg:$0x2] =	wrdreg s17  }
0xc4: {  	[dreg:$0x3] =	wrdreg s24  }
0xc5: {  	[dreg:$0x4] =	wrdreg $0xA  }
0xc6: {  	_ =	task.clear_ibuf [dreg:s22], $0x5FFFF;
	_ =	strace $0x90000049  }
0xc7: {  	s29 =	simm.s32 $0xA;
	_ =	strace $0x8000004B  }
0xc8: {  	_ =	swait.ge [sflag:s29], $0x1  }
0xc9: {  	[sflag:s29] =	ssyncadd.s32 $0xFFFFFFFF  }
0xca: {  	_ =	strace $0x9000004B  }
0xcb: {  	_ =	sfence  }
0xcc: {  	s30 =	sld [smem:$0x0];
	_ =	sdelay $0x2  }
0xcd: {  	s31 =	sshll.u32 s1, $0xD;
	s1 =	sshrl.u32 s1, $0x2  }
0xce: {  	s4 =	sand.u32 $0x4000, s31;
	s1 =	sadd.s32 s1, s30  }
0xcf: {  	s0 =	sor.u32 s4, s0;
	s1 =	sshll.u32 s1, $0x11  }
0xd0: {  	s0 =	sor.u32 s1, s0  }
0xd1: {  	s0 =	sadd.s32 $0x8F2B, s0  }
0xd2: {  	[sflag:s0] =	ssyncadd.remote.s32 $0x1  }
0xd3: {  	_ =	sfence.sel $0xFFFF  }
0xd4: {  	[dreg:$0x0] =	wrdreg $0xFFFFFFFF;
	(pc) =	sbr.abs _section_cstart, $3  }
0xd5: {  	[dreg:$0x1] =	wrdreg $0xFFFFFFFF  }
0xd6: {  	_ =	task.clear_ibuf [dreg:s22], $0x2FFFF;
	_ =	strace $0x9FFFFFFF  }
0xd7: {  	(tm) =	ssettm $0x7FFFFFFF  }
tec
execute0_lowered:
.L_overlay_start_1:
0x0: {  	(tag) =	ssettag $0x1  }
0x1: {  	s1 =	srdreg.scid;
	s2 =	rddreg [dreg:$0x0]  }
0x2: {  	s0 =	stileid.u32;
	s8 =	rddreg [dreg:$0x1]  }
0x3: {  	s5 =	simm.s32 $0x1;
	s9 =	simm.s32 $0x1;
	s1 =	sshll.u32 s1, $0x5  }
0x4: {  	s10 =	simm.s32 $0x3;
	s3 =	sshll.u32 s0, $0x6;
	s4 =	sand.u32 $0x20, s1  }
0x5: {  	s13 =	simm.s32 $0x0;
	s12 =	simm.s32 $0x0;
	s3 =	sor.u32 s3, s4  }
0x6: {  	s1 =	rddreg [dreg:$0x2];
	_ =	strace $0x8000004A;
	s7 =	ssub.s32 $0x800, s3  }
.Ltmp0:
0x7: {  	s4 =	sadd.s32 $0x600, s8;
	s6 =	sand.u32 $0x3E0, s7;
	(pc) =	sbr.rel .LBB2_1-.Ltmp0, $4  }
0x8: {  	[sflag:s5] =	ssyncpa.u1 $0x0;
	s8 =	sadd.s32 $0xE00, s8;
	p0 =	sne.s32 s6, $0x0  }
0x9: {  	s7 =	sshrl.u32 s7, $0xA;
	s6 =	simm.s32 $0x2;
	s9 =	simm.s32 @!p0 $0x0  }
0xa: {  	s11 =	smov.u32 s3;
	[sflag:s6] =	ssyncpa.u1 $0x0;
	s7 =	sadd.s32 s9, s7  }
0xb: {  	vm0 =	vmmov $0xffff;
	[sflag:s10] =	ssyncpa.u1 $0x0;
	s10 =	simm.s32 $0x0;
	s9 =	sadd.s32 $0x1, s7  }
.LBB2_5:
0xc: {  	s15 =	sadd.s32 $0x400, s11  }
0xd: {  	p1 =	sgt.s32 s15, $0x7FF  }
0xe: {  	s15 =	smov.u32 @p1 s3;
	p1 =	sne.s32 s12, s9  }
.Ltmp1:
0xf: {  	p0 =	slt.u32 s12, $0x2;
	(pc) =	sbr.rel @!p1 .LBB2_6-.Ltmp1, $4  }
0x10: {  	s14 =	simm.s32 @!p0 $0x3  }
0x11: {  	_ =	swait.ge @!p0 [sflag:s14], $0x20  }
0x12: {  	s16 =	sadd.s32 $0x1, s12;
	s13 =	smov.u32 s11;
	[sflag:s14] =	ssyncset.done @!p0 $0x0  }
0x13: {  	s12 =	smov.u32 s16;
	s11 =	smov.u32 s15;
	[sflag:s14] =	ssyncadd.s32 @!p0 $0xFFFFFFE0  }
.LBB2_1:
0x14: {  	p0 =	sge.u32 s12, s7  }
0x15: {  	s14 =	sxor.u32 @!p0 $0xFFFFFFFF, s12  }
0x16: {  	s31 =	sadd.s32 $0xFFFFFFFF, s12;
	s15 =	sshrl.u32 @!p0 s11, $0x3;
	s14 =	sshll.u32 @!p0 s14, $0x5  }
0x17: {  	s16 =	sand.u32 @!p0 $0x7, s11;
	s15 =	sadd.s32 @!p0 s4, s15;
	s14 =	sand.u32 @!p0 $0x20, s14  }
0x18: {  	[tilespmem:s14], [sflag:$0x2] =	stream.linear.gather @!p0 [hbm4b:s15+s16], $0x20, $0x38;
	[tilespmem:$0x80] =	vst v63  }
0x19: {  	p0 =	sge.u32 s31, s7  }
.Ltmp2:
0x1a: {  	_ = 	snop;
	(pc) =	sbr.rel @p0 .LBB2_5-.Ltmp2, $1  }
0x1b: {  	_ =	sdelay $0x3  }
0x1c: {  	_ =	swait.ge [sflag:s6], $0x20;
	s14 =	sshll.u32 s12, $0x5;
	s16 =	simm.s32 $0x0  }
0x1d: {  	p0 =	por $0x1, $0x1;
	[sflag:s6] =	ssyncset.done $0x0;
	s15 =	sand.u32 $0x20, s14  }
0x1e: {  	[sflag:s6] =	ssyncadd.s32 $0xFFFFFFE0;
	(ifvalue) =	ssetifvalue $0x7FFFFFFF;
	s14 =	sor.u32 $0x40, s15  }
.LBB2_3:
0x1f: {  	s17 =	sadd.s32 s16, s15  }
0x20: {  	v0 =	vld.msk [tilespmem:s17+$0x0 ss:$0x1], $0xffff;
	_ =	sdelay $0x4  }
0x21: {  	v1 =	vshrl.u32 v0, $0xB;
	v2 =	vshll.u32 v0, $0x7  }
0x22: {  	vm1 =	veq.s32 v0, $0x80000000;
	v61 =	vand.u32 $0xF, v1;
	v62 =	vand.u32 $0x3FF80, v2  }
0x23: {  	v0 =	vsel vm1, $0xFFFFFFFF, v61;
	v1 =	vsel vm1, $0xFFFFFF80, v62  }
0x24: {  	v63 =	vand.u32 $0xFFFFFC00, v1;
	v3 =	vand.u32 $0xFFFFFC00, v0  }
0x25: {  	v1 =	vand.u32 $0x380, v1;
	v2 =	vadd.s32 v3, v63  }
0x26: {  	v0 =	vand.u32 $0x7F, v0;
	v1 =	vor.u32 v1, v2  }
0x27: {  	p1 =	por p0, p0;
	v0 =	vor.u32 v0, v1  }
.Ltmp3:
0x28: {  	_ = 	snop;
	(pc) =	sbr.rel @p1 .LBB2_3-.Ltmp3, $4  }
0x29: {  	_ = 	snop  }
0x2a: {  	s31 =	sadd.s32 s16, s14  }
0x2b: {  	s16 =	simm.s32 $0x10;
	p0 =	por $0x0, $0x0;
	(ifvalue) =	ssetifvalue $0x7FFFFFFF  }
0x2c: {  	[tilespmem:s31], [sflag:$0x1] =	stream.indirect_vreg.gather [hbm4b:s2+s10], $0x1, v0, vm0, $0x4038;
	[tilespmem:$0x80] =	vst v63  }
.Ltmp4:
0x2d: {  	(pc) =	sbr.rel .LBB2_5-.Ltmp4, $4  }
0x2e: {  	_ =	swait.ge [sflag:s5], $0x20  }
0x2f: {  	s15 =	sshrl.u32 s13, $0x3;
	[sflag:s5] =	ssyncset.done $0x0  }
0x30: {  	s31 =	sand.u32 $0x7, s13;
	s15 =	sadd.s32 s8, s15;
	[sflag:s5] =	ssyncadd.s32 $0xFFFFFFE0  }
0x31: {  	[hbm4b:s15+s31] =	stream.linear.scatter [tilespmem:s14], [sflag:$0x3], $0x20, $0x38;
	[tilespmem:$0x80] =	vst v63  }
.LBB2_6:
0x32: {  	_ =	sfence.sel $0x180000  }
0x33: {  	s2 =	simm.s32 $0x2;
	[bflag:$0x0] =	sbarrier.arrive $0xFFFF  }
0x34: {  	s30 =	simm.s32 $0x3;
	[sflag:s2] =	ssyncpa.u1 $0x1  }
0x35: {  	s31 =	simm.s32 $0x1;
	[sflag:s30] =	ssyncpa.u1 $0x1  }
0x36: {  	[sflag:s31] =	ssyncpa.u1 $0x1  }
0x37: {  	p0 =	sne.s32 s0, $0x0;
	_ =	strace $0x9000004A  }
0x38: {  	s0 =	sadd.s32 @!p0 $0x100000, s1;
	[bflag:$0x2] =	sbarrier.arrive $0xFFFF  }
0x39: {  	[sflag:s0] =	ssyncadd.tile.s32 @!p0 $0x1;
	_ =	shalt  }
.Lfunc_end2:
_tile_overlayer_lowered:
.L_overlay_start_2:
0x3a: {  	(tag) =	ssettag $0x2  }
0x3b: {  	s0 =	rddreg [dreg:$0x0];
	s2 =	stileid.u32  }
0x3c: {  	s1 =	rddreg [dreg:$0x1];
	p0 =	sne.s32 s2, $0x0  }
0x3d: {  	s3 =	rddreg [dreg:$0x2];
	[bflag:$0x3] =	sbarrier.arrive $0xFFFF;
	s2 =	simm.s32 @!p0 $0x1C01  }
0x3e: {  	[timem:s3], [sflag:s2] =	dma.local @!p0 [hbm:s0], s1  }
0x3f: {  	s0 =	simm.s32 @!p0 $0x1  }
0x40: {  	_ =	swait.ge @!p0 [sflag:s0], s1  }
0x41: {  	s1 =	ssub.s32 @!p0 $0x0, s1;
	[sflag:s0] =	ssyncset.done @!p0 $0x0  }
0x42: {  	[sflag:s0] =	ssyncadd.s32 @!p0 s1  }
0x43: {  	[bflag:$0x3] =	sbarrier.arrive $0xFFFF  }
0x44: {  	_ =	shalt  }

// kernel: gather_offload_async_start
scs
__scs_entry_jumppad:
0x0: {  	(pc) =	sbr.rel $0x88, $3  }
0x1: {  	(tag) =	ssettag $0x0;
	lr =	simm.s32 $0x1  }
0x2: {  	[smem:$0x3F99] =	sst lr;
	_ =	strace $0xD0000000  }
0x3: {  	_ = 	snop  }
0x4: {  	_ = 	snop  }
0x5: {  	_ = 	snop  }
0x6: {  	_ = 	snop  }
0x7: {  	_ = 	snop  }
__scs_overlays_trampoline_lowered:
0x8: {  	[smem:$0x3FA8] =	sst s0  }
0x9: {  	[smem:$0x3FA9] =	sst s1  }
0xa: {  	[smem:$0x3FAA] =	sst s2  }
0xb: {  	[smem:$0x3FAB] =	sst s3  }
0xc: {  	[smem:$0x3FAC] =	sst s4  }
0xd: {  	[smem:$0x3FAD] =	sst s5  }
0xe: {  	[smem:$0x3FAE] =	sst s6  }
0xf: {  	[smem:$0x3FAF] =	sst s7  }
0x10: {  	[smem:$0x3FB0] =	sst s8  }
0x11: {  	[smem:$0x3FB1] =	sst s9;
	s0 =	simm.s32 @!p0 $0x0  }
0x12: {  	s1 =	sld [smem:$0x3F97];
	s0 =	simm.s32 @p0 $0x1  }
0x13: {  	[smem:$0x3FB2] =	sst s0;
	s0 =	simm.s32 @!p1 $0x0  }
0x14: {  	s2 =	sld [smem:$0x3F96];
	s0 =	simm.s32 @p1 $0x1  }
0x15: {  	[smem:$0x3FB3] =	sst s0;
	s0 =	simm.s32 @!p2 $0x0  }
0x16: {  	s3 =	sld [smem:$0x3FDB];
	s0 =	simm.s32 @p2 $0x1  }
0x17: {  	s4 =	simm.s32 $0x1BF5;
	[smem:$0x3FB5] =	sst s0  }
0x18: {  	s0 =	sld [smem:$0x3F98];
	_ =	swait.ge [sflag:s4], $0x0  }
0x19: {  	s7 =	sld [smem:$0x3F99]  }
0x1a: {  	s8 =	sadd.s32 $0xFFFFE003, lr  }
0x1b: {  	s9 =	sadd.s32 $0xFFFFFEF7, lr;
	s5 =	simm.s32 $0xFFFFFFFF;
	p2 =	slt.u32 s8, $0xFFFFF086  }
0x1c: {  	p1 =	slt.u32 s9, $0xF7A;
	s5 =	simm.s32 @!p2 $0x0  }
0x1d: {  	s5 =	simm.s32 @p1 $0x1;
	p0 =	seq.s32 s7, s2  }
0x1e: {  	s7 =	smul.u32 @!p0 $0xF7A, s2;
	p2 =	seq.s32 @!p0 s5, $0x0  }
0x1f: {  	s9 =	smul.u32 $0xF7A, s1;
	s8 =	simm.s32 @!p0 $0x1BF5;
	p2 =	por !p2, p0  }
0x20: {  	[sflag:s8] =	ssyncset.s32 @!p0 $0xFFFFF086;
	s6 =	sadd.s32 @!p0 s3, s7;
	s7 =	simm.s32 @!p0 $0x108  }
0x21: {  	s3 =	sadd.s32 s3, s9;
	s6 =	sadd.s32 @!p0 $0x88, s6;
	s7 =	simm.s32 @p2 $0x1082  }
0x22: {  	[simem:s7], [sflag:s8] =	dma.local @!p0 [hbm:s6], $0xF7A  }
0x23: {  	s9 =	sor.u32 $0xD0000000, s2;
	s6 =	simm.s32 $0x108;
	_ =	swait.ge @!p0 [sflag:s8], $0x0  }
0x24: {  	s3 =	sadd.s32 $0x88, s3;
	s6 =	simm.s32 @!p1 $0x1082;
	[sflag:s4] =	ssyncset.s32 $0xFFFFF086  }
0x25: {  	[simem:s6], [sflag:s4] =	dma.local [hbm:s3], $0xF7A  }
0x26: {  	[smem:$0x3F99] =	sst s1;
	(tag) =	ssettag s2;
	_ =	strace s9  }
0x27: {  	s1 =	sld [smem:$0x3FA9]  }
0x28: {  	s2 =	sld [smem:$0x3FAA]  }
0x29: {  	s4 =	sld [smem:$0x3FAC]  }
0x2a: {  	p0 =	seq.s32 s5, $0x0;
	s5 =	sld [smem:$0x3FAD]  }
0x2b: {  	s6 =	sld [smem:$0x3FAE]  }
0x2c: {  	s7 =	sld [smem:$0x3FAF]  }
0x2d: {  	s3 =	simm.s32 $0x108;
	s8 =	sld [smem:$0x3FB0]  }
0x2e: {  	s3 =	simm.s32 @!p0 $0x1082;
	s9 =	sld [smem:$0x3FB1]  }
0x2f: {  	lr =	sadd.s32 s0, s3;
	s0 =	sld [smem:$0x3FA8]  }
0x30: {  	s3 =	sld [smem:$0x3FAB]  }
0x31: {  	[smem:$0x3FB4] =	sst s10  }
0x32: {  	s10 =	sld [smem:$0x3FB2];
	_ =	sdelay $0x3  }
0x33: {  	p0 =	seq.s32 s10, $0x1;
	s10 =	sld [smem:$0x3FB4];
	_ =	sdelay $0x3  }
0x34: {  	[smem:$0x3FB4] =	sst s10  }
0x35: {  	s10 =	sld [smem:$0x3FB3];
	_ =	sdelay $0x3  }
0x36: {  	p1 =	seq.s32 s10, $0x1;
	s10 =	sld [smem:$0x3FB4];
	_ =	sdelay $0x3  }
0x37: {  	[smem:$0x3FB4] =	sst s10  }
0x38: {  	s10 =	sld [smem:$0x3FB5]  }
0x39: {  	_ = 	snop;
	(pc) =	sbr.ind lr, $3  }
0x3a: {  	_ = 	snop  }
0x3b: {  	_ = 	snop  }
0x3c: {  	p2 =	seq.s32 s10, $0x1;
	s10 =	sld [smem:$0x3FB4]  }
0x3d: {  	_ =	shalt  }
0x3e: {  	_ =	shalt  }
0x3f: {  	_ =	shalt  }
0x40: {  	_ =	shalt  }
0x41: {  	_ =	shalt  }
0x42: {  	_ =	shalt  }
0x43: {  	_ =	shalt  }
0x44: {  	_ =	shalt  }
0x45: {  	_ =	shalt  }
0x46: {  	_ =	shalt  }
0x47: {  	_ =	shalt  }
0x48: {  	_ =	shalt  }
0x49: {  	_ =	shalt  }
0x4a: {  	_ =	shalt  }
0x4b: {  	_ =	shalt  }
0x4c: {  	_ =	shalt  }
0x4d: {  	_ =	shalt  }
0x4e: {  	_ =	shalt  }
0x4f: {  	_ =	shalt  }
0x50: {  	_ =	shalt  }
0x51: {  	_ =	shalt  }
0x52: {  	_ =	shalt  }
0x53: {  	_ =	shalt  }
0x54: {  	_ =	shalt  }
0x55: {  	_ =	shalt  }
0x56: {  	_ =	shalt  }
0x57: {  	_ =	shalt  }
0x58: {  	_ =	shalt  }
0x59: {  	_ =	shalt  }
0x5a: {  	_ =	shalt  }
0x5b: {  	_ =	shalt  }
0x5c: {  	_ =	shalt  }
0x5d: {  	_ =	shalt  }
0x5e: {  	_ =	shalt  }
0x5f: {  	_ =	shalt  }
0x60: {  	_ =	shalt  }
0x61: {  	_ =	shalt  }
0x62: {  	_ =	shalt  }
0x63: {  	_ =	shalt  }
0x64: {  	_ =	shalt  }
0x65: {  	_ =	shalt  }
0x66: {  	_ =	shalt  }
0x67: {  	_ =	shalt  }
0x68: {  	_ =	shalt  }
0x69: {  	_ =	shalt  }
0x6a: {  	_ =	shalt  }
0x6b: {  	_ =	shalt  }
0x6c: {  	_ =	shalt  }
0x6d: {  	_ =	shalt  }
0x6e: {  	_ =	shalt  }
0x6f: {  	_ =	shalt  }
0x70: {  	_ =	shalt  }
0x71: {  	_ =	shalt  }
0x72: {  	_ =	shalt  }
0x73: {  	_ =	shalt  }
0x74: {  	_ =	shalt  }
0x75: {  	_ =	shalt  }
0x76: {  	_ =	shalt  }
0x77: {  	_ =	shalt  }
0x78: {  	_ =	shalt  }
0x79: {  	_ =	shalt  }
0x7a: {  	_ =	shalt  }
0x7b: {  	_ =	shalt  }
0x7c: {  	_ =	shalt  }
0x7d: {  	_ =	shalt  }
0x7e: {  	_ =	shalt  }
0x7f: {  	_ =	shalt  }
0x80: {  	_ =	shalt  }
0x81: {  	_ =	shalt  }
0x82: {  	_ =	shalt  }
0x83: {  	_ =	shalt  }
0x84: {  	_ =	shalt  }
0x85: {  	_ =	shalt  }
0x86: {  	_ =	shalt  }
0x87: {  	_ =	shalt  }
.Lfunc_end0:
.L_simem_size_0:
called_computation_lowered:
.L_overlay_start_0:
0x88: {  	s2 =	sld [smem:$0x3FD9]  }
0x89: {  	s3 =	sld [smem:$0x3FFE];
	_ =	sdelay $0x1  }
0x8a: {  	s1 =	srdreg.scid  }
0x8b: {  	s0 =	sand.u32 $0x1, s1  }
0x8c: {  	s14 =	sshll.u32 s0, $0xA;
	s2 =	sadd.s32 s3, s2  }
0x8d: {  	s2 =	sadd.s32 s2, s14  }
0x8e: {  	[smem:$0x3FC0] =	sst s2  }
0x8f: {  	_ = 	snop  }
0x90: {  	s2 =	sld [smem:$0x3FD0];
	_ =	sdelay $0x2  }
0x91: {  	s15 =	simm.s32 $0xC;
	s4 =	simm.s32 $0x10  }
0x92: {  	[smem:s4], [sflag:s15] =	dma.local [hbm:s2], $0x1  }
0x93: {  	_ =	swait.eq [sflag:s15], $0x1  }
0x94: {  	[sflag:s15] =	ssyncset.done $0x0  }
0x95: {  	[sflag:s15] =	ssyncadd.s32 $0xFFFFFFFF  }
0x96: {  	s16 =	sld [smem:$0x10];
	(tm) =	ssettm $0x1  }
0x97: {  	s17 =	sld [smem:$0x3FFB];
	_ =	sdelay $0x3  }
0x98: {  	_ =	strace s17  }
0x99: {  	s3 =	sld [smem:$0x3FFC];
	_ =	sdelay $0x3  }
0x9a: {  	_ =	strace s3  }
0x9b: {  	s3 =	sld [smem:$0x3FFD];
	_ =	sdelay $0x3  }
0x9c: {  	_ =	strace s3  }
0x9d: {  	_ =	strace $0x8FFFFFFF  }
0x9e: {  	s18 =	sld [smem:$0x3FDB];
	_ =	sdelay $0x1  }
0x9f: {  	s19 =	simm.s32 $_scs_section_size  }
0xa0: {  	s5 =	simm.s32 $_size__tile_overlayer_lowered;
	s6 =	simm.s32 $_tile_overlayer_lowered  }
0xa1: {  	s22 =	simm.s32 $0x1BFF;
	s21 =	sshll.u32 s6, $0x1;
	s3 =	sadd.s32 s19, s18  }
0xa2: {  	s7 =	simm.s32 $0x0;
	s20 =	sshll.u32 s5, $0x1;
	s5 =	sadd.s32 s21, s3  }
0xa3: {  	[timem:s7], [sflag:s22] =	dma.local [hbm:s5], s20  }
0xa4: {  	_ =	swait.ge [sflag:s22], s20  }
0xa5: {  	s4 =	ssub.s32 $0x0, s20;
	[sflag:s22] =	ssyncset.done $0x0  }
0xa6: {  	[sflag:s22] =	ssyncadd.s32 s4;
	_ =	sdelay $0x1  }
0xa7: {  	s23 =	simm.s32 $0x1B8B  }
0xa8: {  	_ =	swait.ge [sflag:s23], $0x1  }
0xa9: {  	[sflag:s23] =	ssyncset.done $0x0  }
0xaa: {  	s25 =	simm.s32 $0x1B8E;
	s24 =	sld [smem:$0x3FFE];
	[sflag:s23] =	ssyncadd.s32 $0xFFFFFFFF  }
0xab: {  	s26 =	simm.s32 $execute0_lowered;
	[smem:$0x3FD2] =	sst s25  }
0xac: {  	s5 =	sshll.u32 s26, $0x1;
	_ =	strace $0x80000046;
	[dreg:$0x1] =	wrdreg $0xFFFFFFFF  }
0xad: {  	s28 =	simm.s32 $_size_execute0_lowered;
	s3 =	sadd.s32 s3, s5;
	[dreg:$0x0] =	wrdreg $0x0  }
0xae: {  	s5 =	sshll.u32 s28, $0x1;
	[dreg:$0x2] =	wrdreg s3  }
0xaf: {  	[dreg:$0x3] =	wrdreg s5  }
0xb0: {  	[dreg:$0x4] =	wrdreg $0xC0  }
0xb1: {  	_ =	task [dreg:s7], $0x5FFFF  }
0xb2: {  	[dreg:$0x1] =	wrdreg $0xFFFFFFFF  }
0xb3: {  	[dreg:$0x0] =	wrdreg $0x60  }
0xb4: {  	[dreg:$0x2] =	wrdreg s16  }
0xb5: {  	[dreg:$0x3] =	wrdreg s24  }
0xb6: {  	[dreg:$0x4] =	wrdreg $0x9  }
0xb7: {  	_ =	task.clear_ibuf [dreg:s7], $0x5FFFF;
	_ =	strace $0x90000046  }
0xb8: {  	s29 =	simm.s32 $0x9;
	_ =	strace $0x80000048  }
0xb9: {  	_ =	swait.ge [sflag:s29], $0x1  }
0xba: {  	[sflag:s29] =	ssyncadd.s32 $0xFFFFFFFF  }
0xbb: {  	_ =	strace $0x90000048  }
0xbc: {  	_ =	sfence  }
0xbd: {  	s30 =	sld [smem:$0x0];
	_ =	sdelay $0x2  }
0xbe: {  	s31 =	sshll.u32 s1, $0xD;
	s1 =	sshrl.u32 s1, $0x2  }
0xbf: {  	s3 =	sand.u32 $0x4000, s31;
	s1 =	sadd.s32 s1, s30  }
0xc0: {  	s0 =	sor.u32 s3, s0;
	s1 =	sshll.u32 s1, $0x11  }
0xc1: {  	s0 =	sor.u32 s1, s0  }
0xc2: {  	s0 =	sadd.s32 $0x8F2B, s0  }
0xc3: {  	[sflag:s0] =	ssyncadd.remote.s32 $0x1  }
0xc4: {  	_ =	sfence.sel $0xFFFF  }
0xc5: {  	[dreg:$0x0] =	wrdreg $0xFFFFFFFF;
	(pc) =	sbr.abs _section_cstart, $3  }
0xc6: {  	[dreg:$0x1] =	wrdreg $0xFFFFFFFF  }
0xc7: {  	_ =	task.clear_ibuf [dreg:s7], $0x2FFFF;
	_ =	strace $0x9FFFFFFF  }
0xc8: {  	(tm) =	ssettm $0x7FFFFFFF  }
0xc9: {  	_ =	shalt  }
tec
execute0_lowered:
.L_overlay_start_1:
0x0: {  	(tag) =	ssettag $0x1  }
0x1: {  	s1 =	srdreg.scid;
	s2 =	rddreg [dreg:$0x0]  }
0x2: {  	s0 =	stileid.u32;
	s8 =	rddreg [dreg:$0x1]  }
0x3: {  	s5 =	simm.s32 $0x1;
	s9 =	simm.s32 $0x1;
	s1 =	sshll.u32 s1, $0x5  }
0x4: {  	s10 =	simm.s32 $0x3;
	s3 =	sshll.u32 s0, $0x6;
	s4 =	sand.u32 $0x20, s1  }
0x5: {  	s13 =	simm.s32 $0x0;
	s12 =	simm.s32 $0x0;
	s3 =	sor.u32 s3, s4  }
0x6: {  	s1 =	rddreg [dreg:$0x2];
	_ =	strace $0x80000047;
	s7 =	ssub.s32 $0x800, s3  }
.Ltmp0:
0x7: {  	s4 =	sadd.s32 $0x400, s8;
	s6 =	sand.u32 $0x3E0, s7;
	(pc) =	sbr.rel .LBB2_1-.Ltmp0, $4  }
0x8: {  	[sflag:s5] =	ssyncpa.u1 $0x0;
	s8 =	sadd.s32 $0xC00, s8;
	p0 =	sne.s32 s6, $0x0  }
0x9: {  	s7 =	sshrl.u32 s7, $0xA;
	s6 =	simm.s32 $0x2;
	s9 =	simm.s32 @!p0 $0x0  }
0xa: {  	s11 =	smov.u32 s3;
	[sflag:s6] =	ssyncpa.u1 $0x0;
	s7 =	sadd.s32 s9, s7  }
0xb: {  	vm0 =	vmmov $0xffff;
	[sflag:s10] =	ssyncpa.u1 $0x0;
	s10 =	simm.s32 $0x0;
	s9 =	sadd.s32 $0x1, s7  }
.LBB2_5:
0xc: {  	s15 =	sadd.s32 $0x400, s11  }
0xd: {  	p1 =	sgt.s32 s15, $0x7FF  }
0xe: {  	s15 =	smov.u32 @p1 s3;
	p1 =	sne.s32 s12, s9  }
.Ltmp1:
0xf: {  	p0 =	slt.u32 s12, $0x2;
	(pc) =	sbr.rel @!p1 .LBB2_6-.Ltmp1, $4  }
0x10: {  	s14 =	simm.s32 @!p0 $0x3  }
0x11: {  	_ =	swait.ge @!p0 [sflag:s14], $0x20  }
0x12: {  	s16 =	sadd.s32 $0x1, s12;
	s13 =	smov.u32 s11;
	[sflag:s14] =	ssyncset.done @!p0 $0x0  }
0x13: {  	s12 =	smov.u32 s16;
	s11 =	smov.u32 s15;
	[sflag:s14] =	ssyncadd.s32 @!p0 $0xFFFFFFE0  }
.LBB2_1:
0x14: {  	p0 =	sge.u32 s12, s7  }
0x15: {  	s14 =	sxor.u32 @!p0 $0xFFFFFFFF, s12  }
0x16: {  	s31 =	sadd.s32 $0xFFFFFFFF, s12;
	s15 =	sshrl.u32 @!p0 s11, $0x3;
	s14 =	sshll.u32 @!p0 s14, $0x5  }
0x17: {  	s16 =	sand.u32 @!p0 $0x7, s11;
	s15 =	sadd.s32 @!p0 s4, s15;
	s14 =	sand.u32 @!p0 $0x20, s14  }
0x18: {  	[tilespmem:s14], [sflag:$0x2] =	stream.linear.gather @!p0 [hbm4b:s15+s16], $0x20, $0x38;
	[tilespmem:$0x80] =	vst v63  }
0x19: {  	p0 =	sge.u32 s31, s7  }
.Ltmp2:
0x1a: {  	_ = 	snop;
	(pc) =	sbr.rel @p0 .LBB2_5-.Ltmp2, $1  }
0x1b: {  	_ =	sdelay $0x3  }
0x1c: {  	_ =	swait.ge [sflag:s6], $0x20;
	s14 =	sshll.u32 s12, $0x5;
	s16 =	simm.s32 $0x0  }
0x1d: {  	p0 =	por $0x1, $0x1;
	[sflag:s6] =	ssyncset.done $0x0;
	s15 =	sand.u32 $0x20, s14  }
0x1e: {  	[sflag:s6] =	ssyncadd.s32 $0xFFFFFFE0;
	(ifvalue) =	ssetifvalue $0x7FFFFFFF;
	s14 =	sor.u32 $0x40, s15  }
.LBB2_3:
0x1f: {  	s17 =	sadd.s32 s16, s15  }
0x20: {  	v0 =	vld.msk [tilespmem:s17+$0x0 ss:$0x1], $0xffff;
	_ =	sdelay $0x4  }
0x21: {  	v1 =	vshrl.u32 v0, $0xB;
	v2 =	vshll.u32 v0, $0x7  }
0x22: {  	vm1 =	veq.s32 v0, $0x80000000;
	v61 =	vand.u32 $0xF, v1;
	v62 =	vand.u32 $0x3FF80, v2  }
0x23: {  	v0 =	vsel vm1, $0xFFFFFFFF, v61;
	v1 =	vsel vm1, $0xFFFFFF80, v62  }
0x24: {  	v63 =	vand.u32 $0xFFFFFC00, v1;
	v3 =	vand.u32 $0xFFFFFC00, v0  }
0x25: {  	v1 =	vand.u32 $0x380, v1;
	v2 =	vadd.s32 v3, v63  }
0x26: {  	v0 =	vand.u32 $0x7F, v0;
	v1 =	vor.u32 v1, v2  }
0x27: {  	p1 =	por p0, p0;
	v0 =	vor.u32 v0, v1  }
.Ltmp3:
0x28: {  	_ = 	snop;
	(pc) =	sbr.rel @p1 .LBB2_3-.Ltmp3, $4  }
0x29: {  	_ = 	snop  }
0x2a: {  	s31 =	sadd.s32 s16, s14  }
0x2b: {  	s16 =	simm.s32 $0x10;
	p0 =	por $0x0, $0x0;
	(ifvalue) =	ssetifvalue $0x7FFFFFFF  }
0x2c: {  	[tilespmem:s31], [sflag:$0x1] =	stream.indirect_vreg.gather [hbm4b:s2+s10], $0x1, v0, vm0, $0x4038;
	[tilespmem:$0x80] =	vst v63  }
.Ltmp4:
0x2d: {  	(pc) =	sbr.rel .LBB2_5-.Ltmp4, $4  }
0x2e: {  	_ =	swait.ge [sflag:s5], $0x20  }
0x2f: {  	s15 =	sshrl.u32 s13, $0x3;
	[sflag:s5] =	ssyncset.done $0x0  }
0x30: {  	s31 =	sand.u32 $0x7, s13;
	s15 =	sadd.s32 s8, s15;
	[sflag:s5] =	ssyncadd.s32 $0xFFFFFFE0  }
0x31: {  	[hbm4b:s15+s31] =	stream.linear.scatter [tilespmem:s14], [sflag:$0x3], $0x20, $0x38;
	[tilespmem:$0x80] =	vst v63  }
.LBB2_6:
0x32: {  	_ =	sfence.sel $0x180000  }
0x33: {  	s2 =	simm.s32 $0x2;
	[bflag:$0x0] =	sbarrier.arrive $0xFFFF  }
0x34: {  	s30 =	simm.s32 $0x3;
	[sflag:s2] =	ssyncpa.u1 $0x1  }
0x35: {  	s31 =	simm.s32 $0x1;
	[sflag:s30] =	ssyncpa.u1 $0x1  }
0x36: {  	[sflag:s31] =	ssyncpa.u1 $0x1  }
0x37: {  	p0 =	sne.s32 s0, $0x0;
	_ =	strace $0x90000047  }
0x38: {  	s0 =	sadd.s32 @!p0 $0x100000, s1;
	[bflag:$0x2] =	sbarrier.arrive $0xFFFF  }
0x39: {  	[sflag:s0] =	ssyncadd.tile.s32 @!p0 $0x1;
	_ =	shalt  }
.Lfunc_end2:
_tile_overlayer_lowered:
.L_overlay_start_2:
0x3a: {  	(tag) =	ssettag $0x2  }
0x3b: {  	s0 =	rddreg [dreg:$0x0];
	s2 =	stileid.u32  }
0x3c: {  	s1 =	rddreg [dreg:$0x1];
	p0 =	sne.s32 s2, $0x0  }
0x3d: {  	s3 =	rddreg [dreg:$0x2];
	[bflag:$0x3] =	sbarrier.arrive $0xFFFF;
	s2 =	simm.s32 @!p0 $0x1C01  }
0x3e: {  	[timem:s3], [sflag:s2] =	dma.local @!p0 [hbm:s0], s1  }
0x3f: {  	s0 =	simm.s32 @!p0 $0x1  }
0x40: {  	_ =	swait.ge @!p0 [sflag:s0], s1  }
0x41: {  	s1 =	ssub.s32 @!p0 $0x0, s1;
	[sflag:s0] =	ssyncset.done @!p0 $0x0  }
0x42: {  	[sflag:s0] =	ssyncadd.s32 @!p0 s1  }
0x43: {  	[bflag:$0x3] =	sbarrier.arrive $0xFFFF  }
0x44: {  	_ =	shalt  }

// kernel: kernel.11.cloned.1.call-start
scs
__scs_entry_jumppad:
0x0: {  	(pc) =	sbr.rel $0x88, $3  }
0x1: {  	(tag) =	ssettag $0x0;
	lr =	simm.s32 $0x1  }
0x2: {  	[smem:$0x3F99] =	sst lr;
	_ =	strace $0xD0000000  }
0x3: {  	_ = 	snop  }
0x4: {  	_ = 	snop  }
0x5: {  	_ = 	snop  }
0x6: {  	_ = 	snop  }
0x7: {  	_ = 	snop  }
__scs_overlays_trampoline_lowered:
0x8: {  	[smem:$0x3FA8] =	sst s0  }
0x9: {  	[smem:$0x3FA9] =	sst s1  }
0xa: {  	[smem:$0x3FAA] =	sst s2  }
0xb: {  	[smem:$0x3FAB] =	sst s3  }
0xc: {  	[smem:$0x3FAC] =	sst s4  }
0xd: {  	[smem:$0x3FAD] =	sst s5  }
0xe: {  	[smem:$0x3FAE] =	sst s6  }
0xf: {  	[smem:$0x3FAF] =	sst s7  }
0x10: {  	[smem:$0x3FB0] =	sst s8  }
0x11: {  	[smem:$0x3FB1] =	sst s9;
	s0 =	simm.s32 @!p0 $0x0  }
0x12: {  	s1 =	sld [smem:$0x3F97];
	s0 =	simm.s32 @p0 $0x1  }
0x13: {  	[smem:$0x3FB2] =	sst s0;
	s0 =	simm.s32 @!p1 $0x0  }
0x14: {  	s2 =	sld [smem:$0x3F96];
	s0 =	simm.s32 @p1 $0x1  }
0x15: {  	[smem:$0x3FB3] =	sst s0;
	s0 =	simm.s32 @!p2 $0x0  }
0x16: {  	s3 =	sld [smem:$0x3FDB];
	s0 =	simm.s32 @p2 $0x1  }
0x17: {  	s4 =	simm.s32 $0x1BF5;
	[smem:$0x3FB5] =	sst s0  }
0x18: {  	s0 =	sld [smem:$0x3F98];
	_ =	swait.ge [sflag:s4], $0x0  }
0x19: {  	s7 =	sld [smem:$0x3F99]  }
0x1a: {  	s8 =	sadd.s32 $0xFFFFE003, lr  }
0x1b: {  	s9 =	sadd.s32 $0xFFFFFEF7, lr;
	s5 =	simm.s32 $0xFFFFFFFF;
	p2 =	slt.u32 s8, $0xFFFFF086  }
0x1c: {  	p1 =	slt.u32 s9, $0xF7A;
	s5 =	simm.s32 @!p2 $0x0  }
0x1d: {  	s5 =	simm.s32 @p1 $0x1;
	p0 =	seq.s32 s7, s2  }
0x1e: {  	s7 =	smul.u32 @!p0 $0xF7A, s2;
	p2 =	seq.s32 @!p0 s5, $0x0  }
0x1f: {  	s9 =	smul.u32 $0xF7A, s1;
	s8 =	simm.s32 @!p0 $0x1BF5;
	p2 =	por !p2, p0  }
0x20: {  	[sflag:s8] =	ssyncset.s32 @!p0 $0xFFFFF086;
	s6 =	sadd.s32 @!p0 s3, s7;
	s7 =	simm.s32 @!p0 $0x108  }
0x21: {  	s3 =	sadd.s32 s3, s9;
	s6 =	sadd.s32 @!p0 $0x88, s6;
	s7 =	simm.s32 @p2 $0x1082  }
0x22: {  	[simem:s7], [sflag:s8] =	dma.local @!p0 [hbm:s6], $0xF7A  }
0x23: {  	s9 =	sor.u32 $0xD0000000, s2;
	s6 =	simm.s32 $0x108;
	_ =	swait.ge @!p0 [sflag:s8], $0x0  }
0x24: {  	s3 =	sadd.s32 $0x88, s3;
	s6 =	simm.s32 @!p1 $0x1082;
	[sflag:s4] =	ssyncset.s32 $0xFFFFF086  }
0x25: {  	[simem:s6], [sflag:s4] =	dma.local [hbm:s3], $0xF7A  }
0x26: {  	[smem:$0x3F99] =	sst s1;
	(tag) =	ssettag s2;
	_ =	strace s9  }
0x27: {  	s1 =	sld [smem:$0x3FA9]  }
0x28: {  	s2 =	sld [smem:$0x3FAA]  }
0x29: {  	s4 =	sld [smem:$0x3FAC]  }
0x2a: {  	p0 =	seq.s32 s5, $0x0;
	s5 =	sld [smem:$0x3FAD]  }
0x2b: {  	s6 =	sld [smem:$0x3FAE]  }
0x2c: {  	s7 =	sld [smem:$0x3FAF]  }
0x2d: {  	s3 =	simm.s32 $0x108;
	s8 =	sld [smem:$0x3FB0]  }
0x2e: {  	s3 =	simm.s32 @!p0 $0x1082;
	s9 =	sld [smem:$0x3FB1]  }
0x2f: {  	lr =	sadd.s32 s0, s3;
	s0 =	sld [smem:$0x3FA8]  }
0x30: {  	s3 =	sld [smem:$0x3FAB]  }
0x31: {  	[smem:$0x3FB4] =	sst s10  }
0x32: {  	s10 =	sld [smem:$0x3FB2];
	_ =	sdelay $0x3  }
0x33: {  	p0 =	seq.s32 s10, $0x1;
	s10 =	sld [smem:$0x3FB4];
	_ =	sdelay $0x3  }
0x34: {  	[smem:$0x3FB4] =	sst s10  }
0x35: {  	s10 =	sld [smem:$0x3FB3];
	_ =	sdelay $0x3  }
0x36: {  	p1 =	seq.s32 s10, $0x1;
	s10 =	sld [smem:$0x3FB4];
	_ =	sdelay $0x3  }
0x37: {  	[smem:$0x3FB4] =	sst s10  }
0x38: {  	s10 =	sld [smem:$0x3FB5]  }
0x39: {  	_ = 	snop;
	(pc) =	sbr.ind lr, $3  }
0x3a: {  	_ = 	snop  }
0x3b: {  	_ = 	snop  }
0x3c: {  	p2 =	seq.s32 s10, $0x1;
	s10 =	sld [smem:$0x3FB4]  }
0x3d: {  	_ =	shalt  }
0x3e: {  	_ =	shalt  }
0x3f: {  	_ =	shalt  }
0x40: {  	_ =	shalt  }
0x41: {  	_ =	shalt  }
0x42: {  	_ =	shalt  }
0x43: {  	_ =	shalt  }
0x44: {  	_ =	shalt  }
0x45: {  	_ =	shalt  }
0x46: {  	_ =	shalt  }
0x47: {  	_ =	shalt  }
0x48: {  	_ =	shalt  }
0x49: {  	_ =	shalt  }
0x4a: {  	_ =	shalt  }
0x4b: {  	_ =	shalt  }
0x4c: {  	_ =	shalt  }
0x4d: {  	_ =	shalt  }
0x4e: {  	_ =	shalt  }
0x4f: {  	_ =	shalt  }
0x50: {  	_ =	shalt  }
0x51: {  	_ =	shalt  }
0x52: {  	_ =	shalt  }
0x53: {  	_ =	shalt  }
0x54: {  	_ =	shalt  }
0x55: {  	_ =	shalt  }
0x56: {  	_ =	shalt  }
0x57: {  	_ =	shalt  }
0x58: {  	_ =	shalt  }
0x59: {  	_ =	shalt  }
0x5a: {  	_ =	shalt  }
0x5b: {  	_ =	shalt  }
0x5c: {  	_ =	shalt  }
0x5d: {  	_ =	shalt  }
0x5e: {  	_ =	shalt  }
0x5f: {  	_ =	shalt  }
0x60: {  	_ =	shalt  }
0x61: {  	_ =	shalt  }
0x62: {  	_ =	shalt  }
0x63: {  	_ =	shalt  }
0x64: {  	_ =	shalt  }
0x65: {  	_ =	shalt  }
0x66: {  	_ =	shalt  }
0x67: {  	_ =	shalt  }
0x68: {  	_ =	shalt  }
0x69: {  	_ =	shalt  }
0x6a: {  	_ =	shalt  }
0x6b: {  	_ =	shalt  }
0x6c: {  	_ =	shalt  }
0x6d: {  	_ =	shalt  }
0x6e: {  	_ =	shalt  }
0x6f: {  	_ =	shalt  }
0x70: {  	_ =	shalt  }
0x71: {  	_ =	shalt  }
0x72: {  	_ =	shalt  }
0x73: {  	_ =	shalt  }
0x74: {  	_ =	shalt  }
0x75: {  	_ =	shalt  }
0x76: {  	_ =	shalt  }
0x77: {  	_ =	shalt  }
0x78: {  	_ =	shalt  }
0x79: {  	_ =	shalt  }
0x7a: {  	_ =	shalt  }
0x7b: {  	_ =	shalt  }
0x7c: {  	_ =	shalt  }
0x7d: {  	_ =	shalt  }
0x7e: {  	_ =	shalt  }
0x7f: {  	_ =	shalt  }
0x80: {  	_ =	shalt  }
0x81: {  	_ =	shalt  }
0x82: {  	_ =	shalt  }
0x83: {  	_ =	shalt  }
0x84: {  	_ =	shalt  }
0x85: {  	_ =	shalt  }
0x86: {  	_ =	shalt  }
0x87: {  	_ =	shalt  }
.Lfunc_end0:
.L_simem_size_0:
called_computation.3_lowered:
.L_overlay_start_0:
0x88: {  	s2 =	sld [smem:$0x3FD9]  }
0x89: {  	s3 =	sld [smem:$0x3FFE];
	_ =	sdelay $0x1  }
0x8a: {  	s1 =	srdreg.scid  }
0x8b: {  	s0 =	sand.u32 $0x1, s1  }
0x8c: {  	s14 =	sshll.u32 s0, $0xA;
	s2 =	sadd.s32 s3, s2  }
0x8d: {  	s2 =	sadd.s32 s2, s14  }
0x8e: {  	[smem:$0x3FC0] =	sst s2  }
0x8f: {  	_ = 	snop  }
0x90: {  	s2 =	sld [smem:$0x3FD0];
	_ =	sdelay $0x2  }
0x91: {  	s15 =	simm.s32 $0xC;
	s4 =	simm.s32 $0x10  }
0x92: {  	[smem:s4], [sflag:s15] =	dma.local [hbm:s2], $0x1  }
0x93: {  	_ =	swait.eq [sflag:s15], $0x1  }
0x94: {  	[sflag:s15] =	ssyncset.done $0x0  }
0x95: {  	[sflag:s15] =	ssyncadd.s32 $0xFFFFFFFF  }
0x96: {  	s16 =	sld [smem:$0x10];
	(tm) =	ssettm $0x1  }
0x97: {  	s17 =	sld [smem:$0x3FFB];
	_ =	sdelay $0x3  }
0x98: {  	_ =	strace s17  }
0x99: {  	s3 =	sld [smem:$0x3FFC];
	_ =	sdelay $0x3  }
0x9a: {  	_ =	strace s3  }
0x9b: {  	s3 =	sld [smem:$0x3FFD];
	_ =	sdelay $0x3  }
0x9c: {  	_ =	strace s3  }
0x9d: {  	_ =	strace $0x8FFFFFFF  }
0x9e: {  	s18 =	sld [smem:$0x3FDB];
	_ =	sdelay $0x1  }
0x9f: {  	s19 =	simm.s32 $_scs_section_size  }
0xa0: {  	s5 =	simm.s32 $_size__tile_overlayer_lowered;
	s6 =	simm.s32 $_tile_overlayer_lowered  }
0xa1: {  	s22 =	simm.s32 $0x1BFF;
	s21 =	sshll.u32 s6, $0x1;
	s3 =	sadd.s32 s19, s18  }
0xa2: {  	s7 =	simm.s32 $0x0;
	s20 =	sshll.u32 s5, $0x1;
	s5 =	sadd.s32 s21, s3  }
0xa3: {  	[timem:s7], [sflag:s22] =	dma.local [hbm:s5], s20  }
0xa4: {  	_ =	swait.ge [sflag:s22], s20  }
0xa5: {  	s4 =	ssub.s32 $0x0, s20;
	[sflag:s22] =	ssyncset.done $0x0  }
0xa6: {  	[sflag:s22] =	ssyncadd.s32 s4;
	_ =	sdelay $0x1  }
0xa7: {  	s23 =	simm.s32 $0x1B8B  }
0xa8: {  	_ =	swait.ge [sflag:s23], $0x1  }
0xa9: {  	[sflag:s23] =	ssyncset.done $0x0  }
0xaa: {  	s25 =	simm.s32 $0x1B8E;
	s24 =	sld [smem:$0x3FFE];
	[sflag:s23] =	ssyncadd.s32 $0xFFFFFFFF  }
0xab: {  	s26 =	simm.s32 $execute0_lowered;
	[smem:$0x3FD2] =	sst s25  }
0xac: {  	s5 =	sshll.u32 s26, $0x1;
	_ =	strace $0x8000004F;
	[dreg:$0x1] =	wrdreg $0xFFFFFFFF  }
0xad: {  	s28 =	simm.s32 $_size_execute0_lowered;
	s3 =	sadd.s32 s3, s5;
	[dreg:$0x0] =	wrdreg $0x0  }
0xae: {  	s5 =	sshll.u32 s28, $0x1;
	[dreg:$0x2] =	wrdreg s3  }
0xaf: {  	[dreg:$0x3] =	wrdreg s5  }
0xb0: {  	[dreg:$0x4] =	wrdreg $0xC0  }
0xb1: {  	_ =	task [dreg:s7], $0x5FFFF  }
0xb2: {  	[dreg:$0x1] =	wrdreg $0xFFFFFFFF  }
0xb3: {  	[dreg:$0x0] =	wrdreg $0x60  }
0xb4: {  	[dreg:$0x2] =	wrdreg s24  }
0xb5: {  	[dreg:$0x3] =	wrdreg s16  }
0xb6: {  	[dreg:$0x4] =	wrdreg $0x9  }
0xb7: {  	_ =	task.clear_ibuf [dreg:s7], $0x5FFFF;
	_ =	strace $0x9000004F  }
0xb8: {  	s29 =	simm.s32 $0x9;
	_ =	strace $0x80000051  }
0xb9: {  	_ =	swait.ge [sflag:s29], $0x1  }
0xba: {  	[sflag:s29] =	ssyncadd.s32 $0xFFFFFFFF  }
0xbb: {  	_ =	strace $0x90000051  }
0xbc: {  	_ =	sfence  }
0xbd: {  	s30 =	sld [smem:$0x0];
	_ =	sdelay $0x2  }
0xbe: {  	s31 =	sshll.u32 s1, $0xD;
	s1 =	sshrl.u32 s1, $0x2  }
0xbf: {  	s3 =	sand.u32 $0x4000, s31;
	s1 =	sadd.s32 s1, s30  }
0xc0: {  	s0 =	sor.u32 s3, s0;
	s1 =	sshll.u32 s1, $0x11  }
0xc1: {  	s0 =	sor.u32 s1, s0  }
0xc2: {  	s0 =	sadd.s32 $0x8F2B, s0  }
0xc3: {  	[sflag:s0] =	ssyncadd.remote.s32 $0x1  }
0xc4: {  	_ =	sfence.sel $0xFFFF  }
0xc5: {  	[dreg:$0x0] =	wrdreg $0xFFFFFFFF;
	(pc) =	sbr.abs _section_cstart, $3  }
0xc6: {  	[dreg:$0x1] =	wrdreg $0xFFFFFFFF  }
0xc7: {  	_ =	task.clear_ibuf [dreg:s7], $0x2FFFF;
	_ =	strace $0x9FFFFFFF  }
0xc8: {  	(tm) =	ssettm $0x7FFFFFFF  }
0xc9: {  	_ =	shalt  }
tec
execute0_lowered:
.L_overlay_start_1:
0x0: {  	(tag) =	ssettag $0x1  }
0x1: {  	s0 =	rddreg [dreg:$0x0]  }
0x2: {  	s1 =	rddreg [dreg:$0x1];
	s3 =	srdreg.scid;
	s2 =	simm.s32 $0x0  }
0x3: {  	s5 =	stileid.u32;
	s26 =	simm.s32 $0x80;
	s19 =	simm.s32 $0x1  }
0x4: {  	s20 =	simm.s32 $0x2;
	s28 =	simm.s32 $0x2900;
	s29 =	simm.s32 $0x3100  }
0x5: {  	s30 =	simm.s32 $0x3900;
	s31 =	simm.s32 $0x4100;
	s11 =	simm.s32 $0x6100  }
0x6: {  	s12 =	simm.s32 $0x6900;
	s13 =	simm.s32 $0x7100;
	s14 =	simm.s32 $0x7900  }
0x7: {  	s15 =	simm.s32 $0x8900;
	s16 =	simm.s32 $0x9100;
	s17 =	simm.s32 $0x9900  }
0x8: {  	s18 =	simm.s32 $0xA100;
	s4 =	sand.u32 $0x1, s3;
	[smem:$0x7FF] =	sst s2  }
0x9: {  	s21 =	sshll.u32 s5, $0x7;
	s3 =	sadd.s32 $0x101000, s0;
	s8 =	sadd.s32 $0x400, s0  }
0xa: {  	s22 =	sshll.u32 s4, $0x6;
	_ =	strace $0x80000050;
	s4 =	ssub.s32 $0x2, s4  }
0xb: {  	[dreg:$0x8] =	wrdreg s26;
	s5 =	sor.u32 s22, s21;
	s7 =	sshrl.u32 s4, $0x1  }
0xc: {  	s26 =	simm.s32 $0x100;
	s6 =	sshrl.u32 s5, $0x3;
	s4 =	ssub.s32 s4, s7  }
0xd: {  	s23 =	sshll.u32 s5, $0x7;
	s5 =	sadd.s32 $0x101100, s0;
	s6 =	sadd.s32 s0, s6  }
0xe: {  	s7 =	sadd.s32 $0x101300, s0;
	s24 =	sadd.s32 s1, s23;
	[dreg:$0x9] =	wrdreg s6  }
0xf: {  	s9 =	sadd.s32 s8, s23;
	s10 =	sor.u32 $0x1000, s23;
	[dreg:$0x4] =	wrdreg s24  }
0x10: {  	s23 =	simm.s32 $0x1100;
	s6 =	sadd.s32 $0x200, s6;
	[dreg:$0x5] =	wrdreg s9  }
0x11: {  	s1 =	sadd.s32 s1, s10;
	s25 =	sadd.s32 s8, s10;
	s8 =	smax.u32 s4, $0x1  }
0x12: {  	v2 =	vlaneseq.u32;
	s9 =	simm.s32 $0x3;
	s24 =	simm.s32 $0x1900;
	[dreg:$0x3] =	wrdreg s6  }
0x13: {  	vm0 =	vmmov $0xffff;
	v1 =	vshrl.u32 v2, $0x3;
	s4 =	simm.s32 $0x5900;
	s10 =	simm.s32 $0xA900;
	[dreg:$0x6] =	wrdreg s1  }
0x14: {  	v0 =	vand.u32 $0x7, v2;
	v2 =	vor.u32 $0x8, v2;
	v1 =	vmul.u32 $0x8, v1;
	s6 =	sadd.s32 $0x101200, s0;
	[dreg:$0x7] =	wrdreg s25;
	s25 =	simm.s32 $0x2100  }
.LBB2_1:
0x15: {  	s21 =	rddreg [dreg:$0x3]  }
0x16: {  	[tilespmem:s2], [sflag:$0x3] =	stream.linear.gather [hbm4b:s21+s2], $0x40, $0x38;
	[tilespmem:$0x10100] =	vst v63  }
0x17: {  	_ =	swait.ge [sflag:s9], $0x40  }
0x18: {  	s1 =	rddreg [dreg:$0x8];
	[sflag:s9] =	ssyncset.done $0x0  }
0x19: {  	s22 =	rddreg [dreg:$0x9];
	[sflag:s9] =	ssyncadd.s32 $0xFFFFFFC0  }
0x1a: {  	[tilespmem:s1], [sflag:$0x3] =	stream.linear.gather [hbm4b:s22+s2], $0x40, $0x38;
	[tilespmem:$0x10100] =	vst v63  }
0x1b: {  	_ =	swait.ge [sflag:s9], $0x40  }
0x1c: {  	[sflag:s9] =	ssyncset.done $0x0  }
0x1d: {  	[sflag:s9] =	ssyncadd.s32 $0xFFFFFFC0  }
0x1e: {  	v3 =	vld [tilespmem:$0x0];
	_ =	sdelay $0x4  }
0x1f: {  	v4 =	vshll.u32 v3, $0x3  }
0x20: {  	v3 =	vand.u32 $0x7, v3;
	v4 =	vand.u32 $0xFFFFFFC0, v4  }
0x21: {  	v3 =	vor.u32 v3, v4  }
0x22: {  	v4 =	vperm.xlane v3, v0;
	_ =	sdelay $0x1  }
0x23: {  	v4 =	vadd.s32 v1, v4;
	_ =	sdelay $0x4  }
0x24: {  	[tilespmem:s26], [sflag:$0x1] =	stream.indirect_vreg.gather [hbm4b:s3+s2], $0x80, v4, vm0, $0xb8;
	[tilespmem:$0x10100] =	vst v63  }
0x25: {  	s22 =	simm.s32 $0x900;
	v3 =	vperm.xlane v3, v2  }
0x26: {  	[tilespmem:s22], [sflag:$0x1] =	stream.indirect_vreg.gather [hbm4b:s5+s2], $0x80, v4, vm0, $0xb8;
	[tilespmem:$0x10100] =	vst v63  }
0x27: {  	v3 =	vadd.s32 v1, v3  }
0x28: {  	[tilespmem:s23], [sflag:$0x1] =	stream.indirect_vreg.gather [hbm4b:s6+s2], $0x80, v4, vm0, $0xb8;
	[tilespmem:$0x10100] =	vst v63  }
0x29: {  	_ = 	snop  }
0x2a: {  	[tilespmem:s24], [sflag:$0x1] =	stream.indirect_vreg.gather [hbm4b:s7+s2], $0x80, v4, vm0, $0xb8;
	[tilespmem:$0x10100] =	vst v63  }
0x2b: {  	_ = 	snop  }
0x2c: {  	[tilespmem:s25], [sflag:$0x1] =	stream.indirect_vreg.gather [hbm4b:s3+s2], $0x80, v3, vm0, $0xb8;
	[tilespmem:$0x10100] =	vst v63  }
0x2d: {  	_ = 	snop  }
0x2e: {  	[tilespmem:s28], [sflag:$0x1] =	stream.indirect_vreg.gather [hbm4b:s5+s2], $0x80, v3, vm0, $0xb8;
	[tilespmem:$0x10100] =	vst v63  }
0x2f: {  	_ = 	snop  }
0x30: {  	[tilespmem:s29], [sflag:$0x1] =	stream.indirect_vreg.gather [hbm4b:s6+s2], $0x80, v3, vm0, $0xb8;
	[tilespmem:$0x10100] =	vst v63  }
0x31: {  	_ = 	snop  }
0x32: {  	[tilespmem:s30], [sflag:$0x1] =	stream.indirect_vreg.gather [hbm4b:s7+s2], $0x80, v3, vm0, $0xb8;
	[tilespmem:$0x10100] =	vst v63  }
0x33: {  	v3 =	vld [tilespmem:$0x10];
	_ =	sdelay $0x4  }
0x34: {  	v57 =	vshll.u32 v3, $0x3  }
0x35: {  	v3 =	vand.u32 $0x7, v3;
	v4 =	vand.u32 $0xFFFFFFC0, v57  }
0x36: {  	v3 =	vor.u32 v3, v4  }
0x37: {  	v4 =	vperm.xlane v3, v0;
	_ =	sdelay $0x1  }
0x38: {  	v4 =	vadd.s32 v1, v4;
	_ =	sdelay $0x4  }
0x39: {  	[tilespmem:s31], [sflag:$0x1] =	stream.indirect_vreg.gather [hbm4b:s3+s2], $0x80, v4, vm0, $0xb8;
	[tilespmem:$0x10100] =	vst v63  }
0x3a: {  	s0 =	simm.s32 $0x4900;
	v3 =	vperm.xlane v3, v2  }
0x3b: {  	[tilespmem:s0], [sflag:$0x1] =	stream.indirect_vreg.gather [hbm4b:s5+s2], $0x80, v4, vm0, $0xb8;
	[tilespmem:$0x10100] =	vst v63  }
0x3c: {  	s1 =	simm.s32 $0x5100;
	v3 =	vadd.s32 v1, v3  }
0x3d: {  	[tilespmem:s1], [sflag:$0x1] =	stream.indirect_vreg.gather [hbm4b:s6+s2], $0x80, v4, vm0, $0xb8;
	[tilespmem:$0x10100] =	vst v63  }
0x3e: {  	_ = 	snop  }
0x3f: {  	[tilespmem:s4], [sflag:$0x1] =	stream.indirect_vreg.gather [hbm4b:s7+s2], $0x80, v4, vm0, $0xb8;
	[tilespmem:$0x10100] =	vst v63  }
0x40: {  	_ = 	snop  }
0x41: {  	[tilespmem:s11], [sflag:$0x1] =	stream.indirect_vreg.gather [hbm4b:s3+s2], $0x80, v3, vm0, $0xb8;
	[tilespmem:$0x10100] =	vst v63  }
0x42: {  	_ = 	snop  }
0x43: {  	[tilespmem:s12], [sflag:$0x1] =	stream.indirect_vreg.gather [hbm4b:s5+s2], $0x80, v3, vm0, $0xb8;
	[tilespmem:$0x10100] =	vst v63  }
0x44: {  	_ = 	snop  }
0x45: {  	[tilespmem:s13], [sflag:$0x1] =	stream.indirect_vreg.gather [hbm4b:s6+s2], $0x80, v3, vm0, $0xb8;
	[tilespmem:$0x10100] =	vst v63  }
0x46: {  	_ = 	snop  }
0x47: {  	[tilespmem:s14], [sflag:$0x1] =	stream.indirect_vreg.gather [hbm4b:s7+s2], $0x80, v3, vm0, $0xb8;
	[tilespmem:$0x10100] =	vst v63  }
0x48: {  	v3 =	vld [tilespmem:$0x80];
	_ =	sdelay $0x4  }
0x49: {  	v58 =	vshll.u32 v3, $0x3  }
0x4a: {  	v3 =	vand.u32 $0x7, v3;
	v4 =	vand.u32 $0xFFFFFFC0, v58  }
0x4b: {  	v3 =	vor.u32 v3, v4  }
0x4c: {  	v4 =	vperm.xlane v3, v0;
	_ =	sdelay $0x1  }
0x4d: {  	v4 =	vadd.s32 v1, v4;
	_ =	sdelay $0x3  }
0x4e: {  	s0 =	simm.s32 $0x8100  }
0x4f: {  	[tilespmem:s0], [sflag:$0x2] =	stream.indirect_vreg.gather [hbm4b:s3+s2], $0x80, v4, vm0, $0xb8;
	[tilespmem:$0x10100] =	vst v63  }
0x50: {  	v3 =	vperm.xlane v3, v2  }
0x51: {  	[tilespmem:s15], [sflag:$0x2] =	stream.indirect_vreg.gather [hbm4b:s5+s2], $0x80, v4, vm0, $0xb8;
	[tilespmem:$0x10100] =	vst v63  }
0x52: {  	v3 =	vadd.s32 v1, v3  }
0x53: {  	[tilespmem:s16], [sflag:$0x2] =	stream.indirect_vreg.gather [hbm4b:s6+s2], $0x80, v4, vm0, $0xb8;
	[tilespmem:$0x10100] =	vst v63  }
0x54: {  	_ = 	snop  }
0x55: {  	[tilespmem:s17], [sflag:$0x2] =	stream.indirect_vreg.gather [hbm4b:s7+s2], $0x80, v4, vm0, $0xb8;
	[tilespmem:$0x10100] =	vst v63  }
0x56: {  	_ = 	snop  }
0x57: {  	[tilespmem:s18], [sflag:$0x2] =	stream.indirect_vreg.gather [hbm4b:s3+s2], $0x80, v3, vm0, $0xb8;
	[tilespmem:$0x10100] =	vst v63  }
0x58: {  	_ = 	snop  }
0x59: {  	[tilespmem:s10], [sflag:$0x2] =	stream.indirect_vreg.gather [hbm4b:s5+s2], $0x80, v3, vm0, $0xb8;
	[tilespmem:$0x10100] =	vst v63  }
0x5a: {  	s21 =	simm.s32 $0xB100  }
0x5b: {  	[tilespmem:s21], [sflag:$0x2] =	stream.indirect_vreg.gather [hbm4b:s6+s2], $0x80, v3, vm0, $0xb8;
	[tilespmem:$0x10100] =	vst v63  }
0x5c: {  	s21 =	simm.s32 $0xB900  }
0x5d: {  	[tilespmem:s21], [sflag:$0x2] =	stream.indirect_vreg.gather [hbm4b:s7+s2], $0x80, v3, vm0, $0xb8;
	[tilespmem:$0x10100] =	vst v63  }
0x5e: {  	v3 =	vld [tilespmem:$0x90];
	_ =	sdelay $0x4  }
0x5f: {  	v59 =	vshll.u32 v3, $0x3  }
0x60: {  	v3 =	vand.u32 $0x7, v3;
	v4 =	vand.u32 $0xFFFFFFC0, v59  }
0x61: {  	v3 =	vor.u32 v3, v4  }
0x62: {  	v4 =	vperm.xlane v3, v0;
	_ =	sdelay $0x1  }
0x63: {  	v4 =	vadd.s32 v1, v4;
	_ =	sdelay $0x3  }
0x64: {  	s21 =	simm.s32 $0xC100  }
0x65: {  	[tilespmem:s21], [sflag:$0x2] =	stream.indirect_vreg.gather [hbm4b:s3+s2], $0x80, v4, vm0, $0xb8;
	[tilespmem:$0x10100] =	vst v63  }
0x66: {  	v3 =	vperm.xlane v3, v2;
	s21 =	simm.s32 $0xC900  }
0x67: {  	[tilespmem:s21], [sflag:$0x2] =	stream.indirect_vreg.gather [hbm4b:s5+s2], $0x80, v4, vm0, $0xb8;
	[tilespmem:$0x10100] =	vst v63  }
0x68: {  	v3 =	vadd.s32 v1, v3;
	s21 =	simm.s32 $0xD100  }
0x69: {  	[tilespmem:s21], [sflag:$0x2] =	stream.indirect_vreg.gather [hbm4b:s6+s2], $0x80, v4, vm0, $0xb8;
	[tilespmem:$0x10100] =	vst v63  }
0x6a: {  	s21 =	simm.s32 $0xD900  }
0x6b: {  	[tilespmem:s21], [sflag:$0x2] =	stream.indirect_vreg.gather [hbm4b:s7+s2], $0x80, v4, vm0, $0xb8;
	[tilespmem:$0x10100] =	vst v63  }
0x6c: {  	s21 =	simm.s32 $0xE100  }
0x6d: {  	[tilespmem:s21], [sflag:$0x2] =	stream.indirect_vreg.gather [hbm4b:s3+s2], $0x80, v3, vm0, $0xb8;
	[tilespmem:$0x10100] =	vst v63  }
0x6e: {  	s21 =	simm.s32 $0xE900  }
0x6f: {  	[tilespmem:s21], [sflag:$0x2] =	stream.indirect_vreg.gather [hbm4b:s5+s2], $0x80, v3, vm0, $0xb8;
	[tilespmem:$0x10100] =	vst v63  }
0x70: {  	s21 =	simm.s32 $0xF100  }
0x71: {  	[tilespmem:s21], [sflag:$0x2] =	stream.indirect_vreg.gather [hbm4b:s6+s2], $0x80, v3, vm0, $0xb8;
	[tilespmem:$0x10100] =	vst v63  }
0x72: {  	s21 =	simm.s32 $0xF900  }
0x73: {  	[tilespmem:s21], [sflag:$0x2] =	stream.indirect_vreg.gather [hbm4b:s7+s2], $0x80, v3, vm0, $0xb8;
	[tilespmem:$0x10100] =	vst v63  }
0x74: {  	_ =	swait.ge [sflag:s19], $0x8000  }
0x75: {  	[sflag:s19] =	ssyncset.done $0x0  }
0x76: {  	s21 =	rddreg [dreg:$0x4];
	[sflag:s19] =	ssyncadd.s32 $0xFFFF8000  }
0x77: {  	[hbm4b:s21+s2] =	stream.linear.scatter [tilespmem:s26], [sflag:$0x3], $0x8000, $0x38;
	[tilespmem:$0x10100] =	vst v63  }
0x78: {  	_ =	swait.ge [sflag:s9], $0x8000  }
0x79: {  	[sflag:s9] =	ssyncset.done $0x0  }
0x7a: {  	[sflag:s9] =	ssyncadd.s32 $0xFFFF8000  }
0x7b: {  	_ =	swait.ge [sflag:s20], $0x8000  }
0x7c: {  	[sflag:s20] =	ssyncset.done $0x0  }
0x7d: {  	s21 =	rddreg [dreg:$0x5];
	[sflag:s20] =	ssyncadd.s32 $0xFFFF8000  }
0x7e: {  	[hbm4b:s21+s2] =	stream.linear.scatter [tilespmem:s0], [sflag:$0x3], $0x8000, $0x38;
	[tilespmem:$0x10100] =	vst v63  }
0x7f: {  	_ =	swait.ge [sflag:s9], $0x8000  }
0x80: {  	[sflag:s9] =	ssyncset.done $0x0  }
0x81: {  	[sflag:s9] =	ssyncadd.s32 $0xFFFF8000  }
0x82: {  	v3 =	vld [tilespmem:$0x20];
	_ =	sdelay $0x4  }
0x83: {  	v60 =	vshll.u32 v3, $0x3  }
0x84: {  	v3 =	vand.u32 $0x7, v3;
	v4 =	vand.u32 $0xFFFFFFC0, v60  }
0x85: {  	v3 =	vor.u32 v3, v4  }
0x86: {  	v4 =	vperm.xlane v3, v0;
	_ =	sdelay $0x1  }
0x87: {  	v4 =	vadd.s32 v1, v4;
	_ =	sdelay $0x4  }
0x88: {  	[tilespmem:s26], [sflag:$0x1] =	stream.indirect_vreg.gather [hbm4b:s3+s2], $0x80, v4, vm0, $0xb8;
	[tilespmem:$0x10100] =	vst v63  }
0x89: {  	v3 =	vperm.xlane v3, v2  }
0x8a: {  	[tilespmem:s22], [sflag:$0x1] =	stream.indirect_vreg.gather [hbm4b:s5+s2], $0x80, v4, vm0, $0xb8;
	[tilespmem:$0x10100] =	vst v63  }
0x8b: {  	v3 =	vadd.s32 v1, v3  }
0x8c: {  	[tilespmem:s23], [sflag:$0x1] =	stream.indirect_vreg.gather [hbm4b:s6+s2], $0x80, v4, vm0, $0xb8;
	[tilespmem:$0x10100] =	vst v63  }
0x8d: {  	_ = 	snop  }
0x8e: {  	[tilespmem:s24], [sflag:$0x1] =	stream.indirect_vreg.gather [hbm4b:s7+s2], $0x80, v4, vm0, $0xb8;
	[tilespmem:$0x10100] =	vst v63  }
0x8f: {  	_ = 	snop  }
0x90: {  	[tilespmem:s25], [sflag:$0x1] =	stream.indirect_vreg.gather [hbm4b:s3+s2], $0x80, v3, vm0, $0xb8;
	[tilespmem:$0x10100] =	vst v63  }
0x91: {  	_ = 	snop  }
0x92: {  	[tilespmem:s28], [sflag:$0x1] =	stream.indirect_vreg.gather [hbm4b:s5+s2], $0x80, v3, vm0, $0xb8;
	[tilespmem:$0x10100] =	vst v63  }
0x93: {  	_ = 	snop  }
0x94: {  	[tilespmem:s29], [sflag:$0x1] =	stream.indirect_vreg.gather [hbm4b:s6+s2], $0x80, v3, vm0, $0xb8;
	[tilespmem:$0x10100] =	vst v63  }
0x95: {  	_ = 	snop  }
0x96: {  	[tilespmem:s30], [sflag:$0x1] =	stream.indirect_vreg.gather [hbm4b:s7+s2], $0x80, v3, vm0, $0xb8;
	[tilespmem:$0x10100] =	vst v63  }
0x97: {  	v3 =	vld [tilespmem:$0x30];
	_ =	sdelay $0x4  }
0x98: {  	v61 =	vshll.u32 v3, $0x3  }
0x99: {  	v3 =	vand.u32 $0x7, v3;
	v4 =	vand.u32 $0xFFFFFFC0, v61  }
0x9a: {  	v3 =	vor.u32 v3, v4  }
0x9b: {  	v4 =	vperm.xlane v3, v0;
	_ =	sdelay $0x1  }
0x9c: {  	v4 =	vadd.s32 v1, v4;
	_ =	sdelay $0x4  }
0x9d: {  	[tilespmem:s31], [sflag:$0x1] =	stream.indirect_vreg.gather [hbm4b:s3+s2], $0x80, v4, vm0, $0xb8;
	[tilespmem:$0x10100] =	vst v63  }
0x9e: {  	s22 =	simm.s32 $0x4900;
	v3 =	vperm.xlane v3, v2  }
0x9f: {  	[tilespmem:s22], [sflag:$0x1] =	stream.indirect_vreg.gather [hbm4b:s5+s2], $0x80, v4, vm0, $0xb8;
	[tilespmem:$0x10100] =	vst v63  }
0xa0: {  	v3 =	vadd.s32 v1, v3  }
0xa1: {  	[tilespmem:s1], [sflag:$0x1] =	stream.indirect_vreg.gather [hbm4b:s6+s2], $0x80, v4, vm0, $0xb8;
	[tilespmem:$0x10100] =	vst v63  }
0xa2: {  	_ = 	snop  }
0xa3: {  	[tilespmem:s4], [sflag:$0x1] =	stream.indirect_vreg.gather [hbm4b:s7+s2], $0x80, v4, vm0, $0xb8;
	[tilespmem:$0x10100] =	vst v63  }
0xa4: {  	_ = 	snop  }
0xa5: {  	[tilespmem:s11], [sflag:$0x1] =	stream.indirect_vreg.gather [hbm4b:s3+s2], $0x80, v3, vm0, $0xb8;
	[tilespmem:$0x10100] =	vst v63  }
0xa6: {  	_ = 	snop  }
0xa7: {  	[tilespmem:s12], [sflag:$0x1] =	stream.indirect_vreg.gather [hbm4b:s5+s2], $0x80, v3, vm0, $0xb8;
	[tilespmem:$0x10100] =	vst v63  }
0xa8: {  	_ = 	snop  }
0xa9: {  	[tilespmem:s13], [sflag:$0x1] =	stream.indirect_vreg.gather [hbm4b:s6+s2], $0x80, v3, vm0, $0xb8;
	[tilespmem:$0x10100] =	vst v63  }
0xaa: {  	_ = 	snop  }
0xab: {  	[tilespmem:s14], [sflag:$0x1] =	stream.indirect_vreg.gather [hbm4b:s7+s2], $0x80, v3, vm0, $0xb8;
	[tilespmem:$0x10100] =	vst v63  }
0xac: {  	v3 =	vld [tilespmem:$0xA0];
	_ =	sdelay $0x4  }
0xad: {  	v62 =	vshll.u32 v3, $0x3  }
0xae: {  	v3 =	vand.u32 $0x7, v3;
	v4 =	vand.u32 $0xFFFFFFC0, v62  }
0xaf: {  	v3 =	vor.u32 v3, v4  }
0xb0: {  	v4 =	vperm.xlane v3, v0;
	_ =	sdelay $0x1  }
0xb1: {  	v4 =	vadd.s32 v1, v4;
	_ =	sdelay $0x4  }
0xb2: {  	[tilespmem:s0], [sflag:$0x2] =	stream.indirect_vreg.gather [hbm4b:s3+s2], $0x80, v4, vm0, $0xb8;
	[tilespmem:$0x10100] =	vst v63  }
0xb3: {  	v3 =	vperm.xlane v3, v2  }
0xb4: {  	[tilespmem:s15], [sflag:$0x2] =	stream.indirect_vreg.gather [hbm4b:s5+s2], $0x80, v4, vm0, $0xb8;
	[tilespmem:$0x10100] =	vst v63  }
0xb5: {  	v3 =	vadd.s32 v1, v3  }
0xb6: {  	[tilespmem:s16], [sflag:$0x2] =	stream.indirect_vreg.gather [hbm4b:s6+s2], $0x80, v4, vm0, $0xb8;
	[tilespmem:$0x10100] =	vst v63  }
0xb7: {  	_ = 	snop  }
0xb8: {  	[tilespmem:s17], [sflag:$0x2] =	stream.indirect_vreg.gather [hbm4b:s7+s2], $0x80, v4, vm0, $0xb8;
	[tilespmem:$0x10100] =	vst v63  }
0xb9: {  	_ = 	snop  }
0xba: {  	[tilespmem:s18], [sflag:$0x2] =	stream.indirect_vreg.gather [hbm4b:s3+s2], $0x80, v3, vm0, $0xb8;
	[tilespmem:$0x10100] =	vst v63  }
0xbb: {  	_ = 	snop  }
0xbc: {  	[tilespmem:s10], [sflag:$0x2] =	stream.indirect_vreg.gather [hbm4b:s5+s2], $0x80, v3, vm0, $0xb8;
	[tilespmem:$0x10100] =	vst v63  }
0xbd: {  	s21 =	simm.s32 $0xB100  }
0xbe: {  	[tilespmem:s21], [sflag:$0x2] =	stream.indirect_vreg.gather [hbm4b:s6+s2], $0x80, v3, vm0, $0xb8;
	[tilespmem:$0x10100] =	vst v63  }
0xbf: {  	s22 =	simm.s32 $0xB900  }
0xc0: {  	[tilespmem:s22], [sflag:$0x2] =	stream.indirect_vreg.gather [hbm4b:s7+s2], $0x80, v3, vm0, $0xb8;
	[tilespmem:$0x10100] =	vst v63  }
0xc1: {  	v3 =	vld [tilespmem:$0xB0];
	_ =	sdelay $0x4  }
0xc2: {  	v63 =	vshll.u32 v3, $0x3  }
0xc3: {  	v3 =	vand.u32 $0x7, v3;
	v4 =	vand.u32 $0xFFFFFFC0, v63  }
0xc4: {  	v3 =	vor.u32 v3, v4  }
0xc5: {  	v4 =	vperm.xlane v3, v0;
	_ =	sdelay $0x1  }
0xc6: {  	v4 =	vadd.s32 v1, v4;
	_ =	sdelay $0x3  }
0xc7: {  	s21 =	simm.s32 $0xC100  }
0xc8: {  	[tilespmem:s21], [sflag:$0x2] =	stream.indirect_vreg.gather [hbm4b:s3+s2], $0x80, v4, vm0, $0xb8;
	[tilespmem:$0x10100] =	vst v63  }
0xc9: {  	s22 =	simm.s32 $0xC900;
	v3 =	vperm.xlane v3, v2  }
0xca: {  	[tilespmem:s22], [sflag:$0x2] =	stream.indirect_vreg.gather [hbm4b:s5+s2], $0x80, v4, vm0, $0xb8;
	[tilespmem:$0x10100] =	vst v63  }
0xcb: {  	v3 =	vadd.s32 v1, v3;
	s21 =	simm.s32 $0xD100  }
0xcc: {  	[tilespmem:s21], [sflag:$0x2] =	stream.indirect_vreg.gather [hbm4b:s6+s2], $0x80, v4, vm0, $0xb8;
	[tilespmem:$0x10100] =	vst v63  }
0xcd: {  	s22 =	simm.s32 $0xD900  }
0xce: {  	[tilespmem:s22], [sflag:$0x2] =	stream.indirect_vreg.gather [hbm4b:s7+s2], $0x80, v4, vm0, $0xb8;
	[tilespmem:$0x10100] =	vst v63  }
0xcf: {  	s21 =	simm.s32 $0xE100  }
0xd0: {  	[tilespmem:s21], [sflag:$0x2] =	stream.indirect_vreg.gather [hbm4b:s3+s2], $0x80, v3, vm0, $0xb8;
	[tilespmem:$0x10100] =	vst v63  }
0xd1: {  	s22 =	simm.s32 $0xE900  }
0xd2: {  	[tilespmem:s22], [sflag:$0x2] =	stream.indirect_vreg.gather [hbm4b:s5+s2], $0x80, v3, vm0, $0xb8;
	[tilespmem:$0x10100] =	vst v63  }
0xd3: {  	s21 =	simm.s32 $0xF100  }
0xd4: {  	[tilespmem:s21], [sflag:$0x2] =	stream.indirect_vreg.gather [hbm4b:s6+s2], $0x80, v3, vm0, $0xb8;
	[tilespmem:$0x10100] =	vst v63  }
0xd5: {  	s22 =	simm.s32 $0xF900  }
0xd6: {  	[tilespmem:s22], [sflag:$0x2] =	stream.indirect_vreg.gather [hbm4b:s7+s2], $0x80, v3, vm0, $0xb8;
	[tilespmem:$0x10100] =	vst v63  }
0xd7: {  	_ =	swait.ge [sflag:s19], $0x8000  }
0xd8: {  	[sflag:s19] =	ssyncset.done $0x0  }
0xd9: {  	s1 =	rddreg [dreg:$0x6];
	[sflag:s19] =	ssyncadd.s32 $0xFFFF8000  }
0xda: {  	[hbm4b:s1+s2] =	stream.linear.scatter [tilespmem:s26], [sflag:$0x3], $0x8000, $0x38;
	[tilespmem:$0x10100] =	vst v63  }
0xdb: {  	_ =	swait.ge [sflag:s9], $0x8000  }
0xdc: {  	[sflag:s9] =	ssyncset.done $0x0  }
0xdd: {  	[sflag:s9] =	ssyncadd.s32 $0xFFFF8000  }
0xde: {  	_ =	swait.ge [sflag:s20], $0x8000  }
0xdf: {  	p0 =	sne.s32 s8, $0x1;
	[sflag:s20] =	ssyncset.done $0x0  }
.Ltmp0:
0xe0: {  	s22 =	rddreg [dreg:$0x7];
	[sflag:s20] =	ssyncadd.s32 $0xFFFF8000;
	(pc) =	sbr.rel @p0 .LBB2_1-.Ltmp0, $4  }
0xe1: {  	[hbm4b:s22+s2] =	stream.linear.scatter [tilespmem:s0], [sflag:$0x3], $0x8000, $0x38;
	[tilespmem:$0x10100] =	vst v63  }
0xe2: {  	_ =	swait.ge [sflag:s9], $0x8000  }
0xe3: {  	[sflag:s9] =	ssyncset.done $0x0  }
0xe4: {  	s8 =	sadd.s32 $0xFFFFFFFF, s8;
	[sflag:s9] =	ssyncadd.s32 $0xFFFF8000  }
0xe5: {  	_ =	sfence.sel $0x180000  }
0xe6: {  	[bflag:$0x0] =	sbarrier.arrive $0xFFFF  }
0xe7: {  	_ =	strace $0x90000050  }
0xe8: {  	s0 =	stileid.u32;
	[bflag:$0x2] =	sbarrier.arrive $0xFFFF  }
0xe9: {  	p0 =	sne.s32 s0, $0x0;
	s0 =	rddreg [dreg:$0x2]  }
0xea: {  	s0 =	sadd.s32 @!p0 $0x100000, s0  }
0xeb: {  	[sflag:s0] =	ssyncadd.tile.s32 @!p0 $0x1;
	_ =	shalt  }
.Lfunc_end2:
_tile_overlayer_lowered:
.L_overlay_start_2:
0xec: {  	(tag) =	ssettag $0x2  }
0xed: {  	s0 =	rddreg [dreg:$0x0];
	s2 =	stileid.u32  }
0xee: {  	s1 =	rddreg [dreg:$0x1];
	p0 =	sne.s32 s2, $0x0  }
0xef: {  	s3 =	rddreg [dreg:$0x2];
	[bflag:$0x3] =	sbarrier.arrive $0xFFFF;
	s2 =	simm.s32 @!p0 $0x1C03  }
0xf0: {  	[timem:s3], [sflag:s2] =	dma.local @!p0 [hbm:s0], s1  }
0xf1: {  	s0 =	simm.s32 @!p0 $0x3  }
0xf2: {  	_ =	swait.ge @!p0 [sflag:s0], s1  }
0xf3: {  	s1 =	ssub.s32 @!p0 $0x0, s1;
	[sflag:s0] =	ssyncset.done @!p0 $0x0  }
0xf4: {  	[sflag:s0] =	ssyncadd.s32 @!p0 s1  }
0xf5: {  	[bflag:$0x3] =	sbarrier.arrive $0xFFFF  }
0xf6: {  	_ =	shalt  }

// kernel: kernel.8.cloned.1.call-start
scs
__scs_entry_jumppad:
0x0: {  	(pc) =	sbr.rel $0x88, $3  }
0x1: {  	(tag) =	ssettag $0x0;
	lr =	simm.s32 $0x1  }
0x2: {  	[smem:$0x3F99] =	sst lr;
	_ =	strace $0xD0000000  }
0x3: {  	_ = 	snop  }
0x4: {  	_ = 	snop  }
0x5: {  	_ = 	snop  }
0x6: {  	_ = 	snop  }
0x7: {  	_ = 	snop  }
__scs_overlays_trampoline_lowered:
0x8: {  	[smem:$0x3FA8] =	sst s0  }
0x9: {  	[smem:$0x3FA9] =	sst s1  }
0xa: {  	[smem:$0x3FAA] =	sst s2  }
0xb: {  	[smem:$0x3FAB] =	sst s3  }
0xc: {  	[smem:$0x3FAC] =	sst s4  }
0xd: {  	[smem:$0x3FAD] =	sst s5  }
0xe: {  	[smem:$0x3FAE] =	sst s6  }
0xf: {  	[smem:$0x3FAF] =	sst s7  }
0x10: {  	[smem:$0x3FB0] =	sst s8  }
0x11: {  	[smem:$0x3FB1] =	sst s9;
	s0 =	simm.s32 @!p0 $0x0  }
0x12: {  	s1 =	sld [smem:$0x3F97];
	s0 =	simm.s32 @p0 $0x1  }
0x13: {  	[smem:$0x3FB2] =	sst s0;
	s0 =	simm.s32 @!p1 $0x0  }
0x14: {  	s2 =	sld [smem:$0x3F96];
	s0 =	simm.s32 @p1 $0x1  }
0x15: {  	[smem:$0x3FB3] =	sst s0;
	s0 =	simm.s32 @!p2 $0x0  }
0x16: {  	s3 =	sld [smem:$0x3FDB];
	s0 =	simm.s32 @p2 $0x1  }
0x17: {  	s4 =	simm.s32 $0x1BF5;
	[smem:$0x3FB5] =	sst s0  }
0x18: {  	s0 =	sld [smem:$0x3F98];
	_ =	swait.ge [sflag:s4], $0x0  }
0x19: {  	s7 =	sld [smem:$0x3F99]  }
0x1a: {  	s8 =	sadd.s32 $0xFFFFE003, lr  }
0x1b: {  	s9 =	sadd.s32 $0xFFFFFEF7, lr;
	s5 =	simm.s32 $0xFFFFFFFF;
	p2 =	slt.u32 s8, $0xFFFFF086  }
0x1c: {  	p1 =	slt.u32 s9, $0xF7A;
	s5 =	simm.s32 @!p2 $0x0  }
0x1d: {  	s5 =	simm.s32 @p1 $0x1;
	p0 =	seq.s32 s7, s2  }
0x1e: {  	s7 =	smul.u32 @!p0 $0xF7A, s2;
	p2 =	seq.s32 @!p0 s5, $0x0  }
0x1f: {  	s9 =	smul.u32 $0xF7A, s1;
	s8 =	simm.s32 @!p0 $0x1BF5;
	p2 =	por !p2, p0  }
0x20: {  	[sflag:s8] =	ssyncset.s32 @!p0 $0xFFFFF086;
	s6 =	sadd.s32 @!p0 s3, s7;
	s7 =	simm.s32 @!p0 $0x108  }
0x21: {  	s3 =	sadd.s32 s3, s9;
	s6 =	sadd.s32 @!p0 $0x88, s6;
	s7 =	simm.s32 @p2 $0x1082  }
0x22: {  	[simem:s7], [sflag:s8] =	dma.local @!p0 [hbm:s6], $0xF7A  }
0x23: {  	s9 =	sor.u32 $0xD0000000, s2;
	s6 =	simm.s32 $0x108;
	_ =	swait.ge @!p0 [sflag:s8], $0x0  }
0x24: {  	s3 =	sadd.s32 $0x88, s3;
	s6 =	simm.s32 @!p1 $0x1082;
	[sflag:s4] =	ssyncset.s32 $0xFFFFF086  }
0x25: {  	[simem:s6], [sflag:s4] =	dma.local [hbm:s3], $0xF7A  }
0x26: {  	[smem:$0x3F99] =	sst s1;
	(tag) =	ssettag s2;
	_ =	strace s9  }
0x27: {  	s1 =	sld [smem:$0x3FA9]  }
0x28: {  	s2 =	sld [smem:$0x3FAA]  }
0x29: {  	s4 =	sld [smem:$0x3FAC]  }
0x2a: {  	p0 =	seq.s32 s5, $0x0;
	s5 =	sld [smem:$0x3FAD]  }
0x2b: {  	s6 =	sld [smem:$0x3FAE]  }
0x2c: {  	s7 =	sld [smem:$0x3FAF]  }
0x2d: {  	s3 =	simm.s32 $0x108;
	s8 =	sld [smem:$0x3FB0]  }
0x2e: {  	s3 =	simm.s32 @!p0 $0x1082;
	s9 =	sld [smem:$0x3FB1]  }
0x2f: {  	lr =	sadd.s32 s0, s3;
	s0 =	sld [smem:$0x3FA8]  }
0x30: {  	s3 =	sld [smem:$0x3FAB]  }
0x31: {  	[smem:$0x3FB4] =	sst s10  }
0x32: {  	s10 =	sld [smem:$0x3FB2];
	_ =	sdelay $0x3  }
0x33: {  	p0 =	seq.s32 s10, $0x1;
	s10 =	sld [smem:$0x3FB4];
	_ =	sdelay $0x3  }
0x34: {  	[smem:$0x3FB4] =	sst s10  }
0x35: {  	s10 =	sld [smem:$0x3FB3];
	_ =	sdelay $0x3  }
0x36: {  	p1 =	seq.s32 s10, $0x1;
	s10 =	sld [smem:$0x3FB4];
	_ =	sdelay $0x3  }
0x37: {  	[smem:$0x3FB4] =	sst s10  }
0x38: {  	s10 =	sld [smem:$0x3FB5]  }
0x39: {  	_ = 	snop;
	(pc) =	sbr.ind lr, $3  }
0x3a: {  	_ = 	snop  }
0x3b: {  	_ = 	snop  }
0x3c: {  	p2 =	seq.s32 s10, $0x1;
	s10 =	sld [smem:$0x3FB4]  }
0x3d: {  	_ =	shalt  }
0x3e: {  	_ =	shalt  }
0x3f: {  	_ =	shalt  }
0x40: {  	_ =	shalt  }
0x41: {  	_ =	shalt  }
0x42: {  	_ =	shalt  }
0x43: {  	_ =	shalt  }
0x44: {  	_ =	shalt  }
0x45: {  	_ =	shalt  }
0x46: {  	_ =	shalt  }
0x47: {  	_ =	shalt  }
0x48: {  	_ =	shalt  }
0x49: {  	_ =	shalt  }
0x4a: {  	_ =	shalt  }
0x4b: {  	_ =	shalt  }
0x4c: {  	_ =	shalt  }
0x4d: {  	_ =	shalt  }
0x4e: {  	_ =	shalt  }
0x4f: {  	_ =	shalt  }
0x50: {  	_ =	shalt  }
0x51: {  	_ =	shalt  }
0x52: {  	_ =	shalt  }
0x53: {  	_ =	shalt  }
0x54: {  	_ =	shalt  }
0x55: {  	_ =	shalt  }
0x56: {  	_ =	shalt  }
0x57: {  	_ =	shalt  }
0x58: {  	_ =	shalt  }
0x59: {  	_ =	shalt  }
0x5a: {  	_ =	shalt  }
0x5b: {  	_ =	shalt  }
0x5c: {  	_ =	shalt  }
0x5d: {  	_ =	shalt  }
0x5e: {  	_ =	shalt  }
0x5f: {  	_ =	shalt  }
0x60: {  	_ =	shalt  }
0x61: {  	_ =	shalt  }
0x62: {  	_ =	shalt  }
0x63: {  	_ =	shalt  }
0x64: {  	_ =	shalt  }
0x65: {  	_ =	shalt  }
0x66: {  	_ =	shalt  }
0x67: {  	_ =	shalt  }
0x68: {  	_ =	shalt  }
0x69: {  	_ =	shalt  }
0x6a: {  	_ =	shalt  }
0x6b: {  	_ =	shalt  }
0x6c: {  	_ =	shalt  }
0x6d: {  	_ =	shalt  }
0x6e: {  	_ =	shalt  }
0x6f: {  	_ =	shalt  }
0x70: {  	_ =	shalt  }
0x71: {  	_ =	shalt  }
0x72: {  	_ =	shalt  }
0x73: {  	_ =	shalt  }
0x74: {  	_ =	shalt  }
0x75: {  	_ =	shalt  }
0x76: {  	_ =	shalt  }
0x77: {  	_ =	shalt  }
0x78: {  	_ =	shalt  }
0x79: {  	_ =	shalt  }
0x7a: {  	_ =	shalt  }
0x7b: {  	_ =	shalt  }
0x7c: {  	_ =	shalt  }
0x7d: {  	_ =	shalt  }
0x7e: {  	_ =	shalt  }
0x7f: {  	_ =	shalt  }
0x80: {  	_ =	shalt  }
0x81: {  	_ =	shalt  }
0x82: {  	_ =	shalt  }
0x83: {  	_ =	shalt  }
0x84: {  	_ =	shalt  }
0x85: {  	_ =	shalt  }
0x86: {  	_ =	shalt  }
0x87: {  	_ =	shalt  }
.Lfunc_end0:
.L_simem_size_0:
called_computation.2_lowered:
.L_overlay_start_0:
0x88: {  	s2 =	sld [smem:$0x3FD9]  }
0x89: {  	s3 =	sld [smem:$0x3FFE];
	_ =	sdelay $0x1  }
0x8a: {  	s1 =	srdreg.scid  }
0x8b: {  	s0 =	sand.u32 $0x1, s1  }
0x8c: {  	s17 =	sshll.u32 s0, $0xA;
	s2 =	sadd.s32 s3, s2  }
0x8d: {  	s2 =	sadd.s32 s2, s17  }
0x8e: {  	[smem:$0x3FC0] =	sst s2  }
0x8f: {  	_ = 	snop  }
0x90: {  	s18 =	sld [smem:$0x3FC9];
	(tm) =	ssettm $0x1  }
0x91: {  	s19 =	sld [smem:$0x3FFB];
	_ =	sdelay $0x3  }
0x92: {  	_ =	strace s19  }
0x93: {  	s2 =	sld [smem:$0x3FFC];
	_ =	sdelay $0x3  }
0x94: {  	_ =	strace s2  }
0x95: {  	s2 =	sld [smem:$0x3FFD];
	_ =	sdelay $0x3  }
0x96: {  	_ =	strace s2  }
0x97: {  	_ =	strace $0x8FFFFFFF  }
0x98: {  	s20 =	sld [smem:$0x3FDB];
	_ =	sdelay $0x1  }
0x99: {  	s4 =	simm.s32 $_scs_section_size  }
0x9a: {  	s5 =	simm.s32 $_size__tile_overlayer_lowered;
	s6 =	simm.s32 $_tile_overlayer_lowered  }
0x9b: {  	s7 =	simm.s32 $0x1BFF;
	s21 =	sshll.u32 s6, $0x1;
	s4 =	sadd.s32 s4, s20  }
0x9c: {  	s22 =	simm.s32 $0x0;
	s5 =	sshll.u32 s5, $0x1;
	s6 =	sadd.s32 s21, s4  }
0x9d: {  	[timem:s22], [sflag:s7] =	dma.local [hbm:s6], s5  }
0x9e: {  	_ =	swait.ge [sflag:s7], s5  }
0x9f: {  	s5 =	ssub.s32 $0x0, s5;
	[sflag:s7] =	ssyncset.done $0x0  }
0xa0: {  	[sflag:s7] =	ssyncadd.s32 s5;
	_ =	sdelay $0x1  }
0xa1: {  	s23 =	simm.s32 $0x1B8B  }
0xa2: {  	_ =	swait.ge [sflag:s23], $0x1  }
0xa3: {  	[sflag:s23] =	ssyncset.done $0x0  }
0xa4: {  	[sflag:s23] =	ssyncadd.s32 $0xFFFFFFFF  }
0xa5: {  	s5 =	sld [smem:$0x0]  }
0xa6: {  	s6 =	sand.u32 $0xFFFFFFFE, s1  }
0xa7: {  	p0 =	sne.s32 s1, s6  }
0xa8: {  	s6 =	sshll.u32 @p0 s6, $0xE  }
0xa9: {  	s6 =	sadd.s32 @p0 $0x11B8D, s6;
	s7 =	sshll.u32 @p0 s5, $0x11  }
0xaa: {  	s6 =	sor.u32 @p0 s7, s6  }
0xab: {  	[sflag:s6] =	ssyncadd.remote.s32 @p0 $0x1;
	_ =	sdelay $0x1  }
0xac: {  	s6 =	simm.s32 @p0 $0x1B8D  }
0xad: {  	_ =	swait.eq @p0 [sflag:s6], $0x1  }
0xae: {  	[sflag:s6] =	ssyncadd.s32 @p0 $0xFFFFFFFF  }
0xaf: {  	s7 =	sshll.u32 @!p0 s1, $0xE  }
0xb0: {  	s7 =	sor.u32 @!p0 $0x4000, s7;
	s6 =	simm.s32 @!p0 $0x1B8D  }
0xb1: {  	s5 =	sshll.u32 @!p0 s5, $0x11;
	s7 =	sadd.s32 @!p0 $0x11B8D, s7;
	_ =	swait.eq @!p0 [sflag:s6], $0x1  }
0xb2: {  	s5 =	sor.u32 @!p0 s5, s7;
	[sflag:s6] =	ssyncadd.s32 @!p0 $0xFFFFFFFF  }
0xb3: {  	s25 =	simm.s32 $0x1B8E;
	s24 =	sld [smem:$0x3FFE];
	[sflag:s5] =	ssyncadd.remote.s32 @!p0 $0x1  }
0xb4: {  	s26 =	simm.s32 $execute0_lowered;
	[smem:$0x3FD2] =	sst s25  }
0xb5: {  	s6 =	sshll.u32 s26, $0x1;
	_ =	strace $0x8000004C;
	[dreg:$0x1] =	wrdreg $0xFFFFFFFF  }
0xb6: {  	s28 =	simm.s32 $_size_execute0_lowered;
	s4 =	sadd.s32 s4, s6;
	[dreg:$0x0] =	wrdreg $0x0  }
0xb7: {  	s6 =	sshll.u32 s28, $0x1;
	[dreg:$0x2] =	wrdreg s4  }
0xb8: {  	[dreg:$0x3] =	wrdreg s6  }
0xb9: {  	[dreg:$0x4] =	wrdreg $0xC0  }
0xba: {  	_ =	task [dreg:s22], $0x5FFFF  }
0xbb: {  	[dreg:$0x1] =	wrdreg $0xFFFFFFFF  }
0xbc: {  	[dreg:$0x0] =	wrdreg $0x60  }
0xbd: {  	[dreg:$0x2] =	wrdreg s18  }
0xbe: {  	[dreg:$0x3] =	wrdreg s24  }
0xbf: {  	[dreg:$0x4] =	wrdreg $0xB  }
0xc0: {  	_ =	task.clear_ibuf [dreg:s22], $0x5FFFF;
	_ =	strace $0x9000004C  }
0xc1: {  	s29 =	simm.s32 $0xB;
	_ =	strace $0x8000004E  }
0xc2: {  	_ =	swait.ge [sflag:s29], $0x1  }
0xc3: {  	[sflag:s29] =	ssyncadd.s32 $0xFFFFFFFF  }
0xc4: {  	_ =	strace $0x9000004E  }
0xc5: {  	_ =	sfence  }
0xc6: {  	s30 =	sld [smem:$0x0];
	_ =	sdelay $0x2  }
0xc7: {  	s31 =	sshll.u32 s1, $0xD;
	s1 =	sshrl.u32 s1, $0x2  }
0xc8: {  	s4 =	sand.u32 $0x4000, s31;
	s1 =	sadd.s32 s1, s30  }
0xc9: {  	s0 =	sor.u32 s4, s0;
	s1 =	sshll.u32 s1, $0x11  }
0xca: {  	s0 =	sor.u32 s1, s0  }
0xcb: {  	s0 =	sadd.s32 $0x8F2B, s0  }
0xcc: {  	[sflag:s0] =	ssyncadd.remote.s32 $0x1  }
0xcd: {  	_ =	sfence.sel $0xFFFF  }
0xce: {  	[dreg:$0x0] =	wrdreg $0xFFFFFFFF;
	(pc) =	sbr.abs _section_cstart, $3  }
0xcf: {  	[dreg:$0x1] =	wrdreg $0xFFFFFFFF  }
0xd0: {  	_ =	task.clear_ibuf [dreg:s22], $0x2FFFF;
	_ =	strace $0x9FFFFFFF  }
0xd1: {  	(tm) =	ssettm $0x7FFFFFFF  }
tec
execute0_lowered:
.L_overlay_start_1:
0x0: {  	(tag) =	ssettag $0x1  }
0x1: {  	s0 =	srdreg.scid;
	s2 =	rddreg [dreg:$0x0]  }
0x2: {  	s1 =	stileid.u32;
	s4 =	rddreg [dreg:$0x1];
	s8 =	simm.s32 $0x3  }
0x3: {  	s9 =	simm.s32 $0x100;
	s28 =	simm.s32 $0x3100;
	s29 =	simm.s32 $0x3900  }
0x4: {  	s30 =	simm.s32 $0x4100;
	s31 =	simm.s32 $0x4900;
	s0 =	sand.u32 $0x1, s0  }
0x5: {  	s16 =	simm.s32 $0x5100;
	s1 =	sshll.u32 s1, $0x9;
	s3 =	sshll.u32 s0, $0x8  }
0x6: {  	s15 =	simm.s32 $0x5900;
	s11 =	simm.s32 $0x6900;
	s1 =	sor.u32 s3, s1  }
0x7: {  	s12 =	simm.s32 $0x7100;
	s13 =	simm.s32 $0x7900;
	s5 =	sshrl.u32 s1, $0x3  }
0x8: {  	s3 =	simm.s32 $0x0;
	s1 =	sshll.u32 s1, $0x7;
	s5 =	sadd.s32 s5, s4  }
0x9: {  	[smem:$0x7FF] =	sst s3;
	s1 =	sadd.s32 s1, s4;
	s18 =	sadd.s32 $0x800, s5  }
0xa: {  	_ =	strace $0x8000004D;
	s19 =	sadd.s32 $0x1000, s1;
	[dreg:$0x3] =	wrdreg s18  }
0xb: {  	s6 =	sadd.s32 $0x300, s2;
	s20 =	sadd.s32 $0x2000, s1;
	[dreg:$0x4] =	wrdreg s19  }
0xc: {  	s0 =	ssub.s32 $0x2, s0;
	s21 =	sadd.s32 $0x3000, s1;
	[dreg:$0x5] =	wrdreg s20  }
0xd: {  	s24 =	sshrl.u32 s0, $0x1;
	s22 =	sadd.s32 $0x4000, s1;
	[dreg:$0x6] =	wrdreg s21  }
0xe: {  	s0 =	ssub.s32 s0, s24;
	s23 =	sadd.s32 $0x5000, s1;
	[dreg:$0x7] =	wrdreg s22  }
0xf: {  	s24 =	simm.s32 $0x2100;
	s25 =	sadd.s32 $0x6000, s1;
	[dreg:$0x8] =	wrdreg s23  }
0x10: {  	s4 =	sadd.s32 $0x100, s2;
	s26 =	sadd.s32 $0x7000, s1;
	[dreg:$0x9] =	wrdreg s25  }
0x11: {  	s7 =	smax.u32 s0, $0x1;
	s1 =	sadd.s32 $0x8000, s1;
	[dreg:$0xa] =	wrdreg s26  }
0x12: {  	v2 =	vlaneseq.u32;
	s5 =	sadd.s32 $0x200, s2;
	[dreg:$0xb] =	wrdreg s1;
	s25 =	simm.s32 $0x8100  }
0x13: {  	vm0 =	vmmov $0xffff;
	v1 =	vshrl.u32 v2, $0x3;
	s18 =	simm.s32 $0x1;
	s19 =	simm.s32 $0x2;
	s21 =	simm.s32 $0x900  }
0x14: {  	v0 =	vand.u32 $0x7, v2;
	v2 =	vor.u32 $0x8, v2;
	v1 =	vmul.u32 $0x8, v1;
	s22 =	simm.s32 $0x1100;
	s23 =	simm.s32 $0x1900;
	s26 =	simm.s32 $0x2900  }
.LBB2_1:
0x15: {  	s20 =	rddreg [dreg:$0x3]  }
0x16: {  	[tilespmem:s3], [sflag:$0x3] =	stream.linear.gather [hbm4b:s20+s3], $0x100, $0x38;
	[tilespmem:$0x10100] =	vst v63  }
0x17: {  	_ =	swait.ge [sflag:s8], $0x100  }
0x18: {  	[sflag:s8] =	ssyncset.done $0x0  }
0x19: {  	[sflag:s8] =	ssyncadd.s32 $0xFFFFFF00  }
0x1a: {  	v3 =	vld [tilespmem:$0x0];
	_ =	sdelay $0x4  }
0x1b: {  	v4 =	vshll.u32 v3, $0x3  }
0x1c: {  	v3 =	vand.u32 $0x7, v3;
	v4 =	vand.u32 $0xFFFFFFC0, v4  }
0x1d: {  	v3 =	vor.u32 v3, v4  }
0x1e: {  	v4 =	vperm.xlane v3, v0;
	_ =	sdelay $0x1  }
0x1f: {  	v4 =	vadd.s32 v1, v4;
	_ =	sdelay $0x4  }
0x20: {  	[tilespmem:s9], [sflag:$0x1] =	stream.indirect_vreg.gather [hbm4b:s2+s3], $0x80, v4, vm0, $0xb8;
	[tilespmem:$0x10100] =	vst v63  }
0x21: {  	v3 =	vperm.xlane v3, v2  }
0x22: {  	[tilespmem:s21], [sflag:$0x1] =	stream.indirect_vreg.gather [hbm4b:s4+s3], $0x80, v4, vm0, $0xb8;
	[tilespmem:$0x10100] =	vst v63  }
0x23: {  	v3 =	vadd.s32 v1, v3  }
0x24: {  	[tilespmem:s22], [sflag:$0x1] =	stream.indirect_vreg.gather [hbm4b:s5+s3], $0x80, v4, vm0, $0xb8;
	[tilespmem:$0x10100] =	vst v63  }
0x25: {  	_ = 	snop  }
0x26: {  	[tilespmem:s23], [sflag:$0x1] =	stream.indirect_vreg.gather [hbm4b:s6+s3], $0x80, v4, vm0, $0xb8;
	[tilespmem:$0x10100] =	vst v63  }
0x27: {  	_ = 	snop  }
0x28: {  	[tilespmem:s24], [sflag:$0x1] =	stream.indirect_vreg.gather [hbm4b:s2+s3], $0x80, v3, vm0, $0xb8;
	[tilespmem:$0x10100] =	vst v63  }
0x29: {  	_ = 	snop  }
0x2a: {  	[tilespmem:s26], [sflag:$0x1] =	stream.indirect_vreg.gather [hbm4b:s4+s3], $0x80, v3, vm0, $0xb8;
	[tilespmem:$0x10100] =	vst v63  }
0x2b: {  	_ = 	snop  }
0x2c: {  	[tilespmem:s28], [sflag:$0x1] =	stream.indirect_vreg.gather [hbm4b:s5+s3], $0x80, v3, vm0, $0xb8;
	[tilespmem:$0x10100] =	vst v63  }
0x2d: {  	_ = 	snop  }
0x2e: {  	[tilespmem:s29], [sflag:$0x1] =	stream.indirect_vreg.gather [hbm4b:s6+s3], $0x80, v3, vm0, $0xb8;
	[tilespmem:$0x10100] =	vst v63  }
0x2f: {  	v3 =	vld [tilespmem:$0x10];
	_ =	sdelay $0x4  }
0x30: {  	v49 =	vshll.u32 v3, $0x3  }
0x31: {  	v3 =	vand.u32 $0x7, v3;
	v4 =	vand.u32 $0xFFFFFFC0, v49  }
0x32: {  	v3 =	vor.u32 v3, v4  }
0x33: {  	v4 =	vperm.xlane v3, v0;
	_ =	sdelay $0x1  }
0x34: {  	v4 =	vadd.s32 v1, v4;
	_ =	sdelay $0x4  }
0x35: {  	[tilespmem:s30], [sflag:$0x1] =	stream.indirect_vreg.gather [hbm4b:s2+s3], $0x80, v4, vm0, $0xb8;
	[tilespmem:$0x10100] =	vst v63  }
0x36: {  	v3 =	vperm.xlane v3, v2  }
0x37: {  	[tilespmem:s31], [sflag:$0x1] =	stream.indirect_vreg.gather [hbm4b:s4+s3], $0x80, v4, vm0, $0xb8;
	[tilespmem:$0x10100] =	vst v63  }
0x38: {  	v3 =	vadd.s32 v1, v3  }
0x39: {  	[tilespmem:s16], [sflag:$0x1] =	stream.indirect_vreg.gather [hbm4b:s5+s3], $0x80, v4, vm0, $0xb8;
	[tilespmem:$0x10100] =	vst v63  }
0x3a: {  	_ = 	snop  }
0x3b: {  	[tilespmem:s15], [sflag:$0x1] =	stream.indirect_vreg.gather [hbm4b:s6+s3], $0x80, v4, vm0, $0xb8;
	[tilespmem:$0x10100] =	vst v63  }
0x3c: {  	s10 =	simm.s32 $0x6100  }
0x3d: {  	[tilespmem:s10], [sflag:$0x1] =	stream.indirect_vreg.gather [hbm4b:s2+s3], $0x80, v3, vm0, $0xb8;
	[tilespmem:$0x10100] =	vst v63  }
0x3e: {  	_ = 	snop  }
0x3f: {  	[tilespmem:s11], [sflag:$0x1] =	stream.indirect_vreg.gather [hbm4b:s4+s3], $0x80, v3, vm0, $0xb8;
	[tilespmem:$0x10100] =	vst v63  }
0x40: {  	_ = 	snop  }
0x41: {  	[tilespmem:s12], [sflag:$0x1] =	stream.indirect_vreg.gather [hbm4b:s5+s3], $0x80, v3, vm0, $0xb8;
	[tilespmem:$0x10100] =	vst v63  }
0x42: {  	_ = 	snop  }
0x43: {  	[tilespmem:s13], [sflag:$0x1] =	stream.indirect_vreg.gather [hbm4b:s6+s3], $0x80, v3, vm0, $0xb8;
	[tilespmem:$0x10100] =	vst v63  }
0x44: {  	v3 =	vld [tilespmem:$0x20];
	_ =	sdelay $0x4  }
0x45: {  	v50 =	vshll.u32 v3, $0x3  }
0x46: {  	v3 =	vand.u32 $0x7, v3;
	v4 =	vand.u32 $0xFFFFFFC0, v50  }
0x47: {  	v3 =	vor.u32 v3, v4  }
0x48: {  	v4 =	vperm.xlane v3, v0;
	_ =	sdelay $0x1  }
0x49: {  	v4 =	vadd.s32 v1, v4;
	_ =	sdelay $0x4  }
0x4a: {  	[tilespmem:s25], [sflag:$0x2] =	stream.indirect_vreg.gather [hbm4b:s2+s3], $0x80, v4, vm0, $0xb8;
	[tilespmem:$0x10100] =	vst v63  }
0x4b: {  	s14 =	simm.s32 $0x8900;
	v3 =	vperm.xlane v3, v2  }
0x4c: {  	[tilespmem:s14], [sflag:$0x2] =	stream.indirect_vreg.gather [hbm4b:s4+s3], $0x80, v4, vm0, $0xb8;
	[tilespmem:$0x10100] =	vst v63  }
0x4d: {  	s17 =	simm.s32 $0x9100;
	v3 =	vadd.s32 v1, v3  }
0x4e: {  	[tilespmem:s17], [sflag:$0x2] =	stream.indirect_vreg.gather [hbm4b:s5+s3], $0x80, v4, vm0, $0xb8;
	[tilespmem:$0x10100] =	vst v63  }
0x4f: {  	s20 =	simm.s32 $0x9900  }
0x50: {  	[tilespmem:s20], [sflag:$0x2] =	stream.indirect_vreg.gather [hbm4b:s6+s3], $0x80, v4, vm0, $0xb8;
	[tilespmem:$0x10100] =	vst v63  }
0x51: {  	s1 =	simm.s32 $0xA100  }
0x52: {  	[tilespmem:s1], [sflag:$0x2] =	stream.indirect_vreg.gather [hbm4b:s2+s3], $0x80, v3, vm0, $0xb8;
	[tilespmem:$0x10100] =	vst v63  }
0x53: {  	s17 =	simm.s32 $0xA900  }
0x54: {  	[tilespmem:s17], [sflag:$0x2] =	stream.indirect_vreg.gather [hbm4b:s4+s3], $0x80, v3, vm0, $0xb8;
	[tilespmem:$0x10100] =	vst v63  }
0x55: {  	s1 =	simm.s32 $0xB100  }
0x56: {  	[tilespmem:s1], [sflag:$0x2] =	stream.indirect_vreg.gather [hbm4b:s5+s3], $0x80, v3, vm0, $0xb8;
	[tilespmem:$0x10100] =	vst v63  }
0x57: {  	s14 =	simm.s32 $0xB900  }
0x58: {  	[tilespmem:s14], [sflag:$0x2] =	stream.indirect_vreg.gather [hbm4b:s6+s3], $0x80, v3, vm0, $0xb8;
	[tilespmem:$0x10100] =	vst v63  }
0x59: {  	v3 =	vld [tilespmem:$0x30];
	_ =	sdelay $0x4  }
0x5a: {  	v51 =	vshll.u32 v3, $0x3  }
0x5b: {  	v3 =	vand.u32 $0x7, v3;
	v4 =	vand.u32 $0xFFFFFFC0, v51  }
0x5c: {  	v3 =	vor.u32 v3, v4  }
0x5d: {  	v4 =	vperm.xlane v3, v0;
	_ =	sdelay $0x1  }
0x5e: {  	v4 =	vadd.s32 v1, v4;
	_ =	sdelay $0x3  }
0x5f: {  	s17 =	simm.s32 $0xC100  }
0x60: {  	[tilespmem:s17], [sflag:$0x2] =	stream.indirect_vreg.gather [hbm4b:s2+s3], $0x80, v4, vm0, $0xb8;
	[tilespmem:$0x10100] =	vst v63  }
0x61: {  	s1 =	simm.s32 $0xC900;
	v3 =	vperm.xlane v3, v2  }
0x62: {  	[tilespmem:s1], [sflag:$0x2] =	stream.indirect_vreg.gather [hbm4b:s4+s3], $0x80, v4, vm0, $0xb8;
	[tilespmem:$0x10100] =	vst v63  }
0x63: {  	v3 =	vadd.s32 v1, v3;
	s1 =	simm.s32 $0xD100  }
0x64: {  	[tilespmem:s1], [sflag:$0x2] =	stream.indirect_vreg.gather [hbm4b:s5+s3], $0x80, v4, vm0, $0xb8;
	[tilespmem:$0x10100] =	vst v63  }
0x65: {  	s1 =	simm.s32 $0xD900  }
0x66: {  	[tilespmem:s1], [sflag:$0x2] =	stream.indirect_vreg.gather [hbm4b:s6+s3], $0x80, v4, vm0, $0xb8;
	[tilespmem:$0x10100] =	vst v63  }
0x67: {  	s1 =	simm.s32 $0xE100  }
0x68: {  	[tilespmem:s1], [sflag:$0x2] =	stream.indirect_vreg.gather [hbm4b:s2+s3], $0x80, v3, vm0, $0xb8;
	[tilespmem:$0x10100] =	vst v63  }
0x69: {  	s1 =	simm.s32 $0xE900  }
0x6a: {  	[tilespmem:s1], [sflag:$0x2] =	stream.indirect_vreg.gather [hbm4b:s4+s3], $0x80, v3, vm0, $0xb8;
	[tilespmem:$0x10100] =	vst v63  }
0x6b: {  	s1 =	simm.s32 $0xF100  }
0x6c: {  	[tilespmem:s1], [sflag:$0x2] =	stream.indirect_vreg.gather [hbm4b:s5+s3], $0x80, v3, vm0, $0xb8;
	[tilespmem:$0x10100] =	vst v63  }
0x6d: {  	s1 =	simm.s32 $0xF900  }
0x6e: {  	[tilespmem:s1], [sflag:$0x2] =	stream.indirect_vreg.gather [hbm4b:s6+s3], $0x80, v3, vm0, $0xb8;
	[tilespmem:$0x10100] =	vst v63  }
0x6f: {  	_ =	swait.ge [sflag:s18], $0x8000  }
0x70: {  	[sflag:s18] =	ssyncset.done $0x0  }
0x71: {  	s1 =	rddreg [dreg:$0x4];
	[sflag:s18] =	ssyncadd.s32 $0xFFFF8000  }
0x72: {  	[hbm4b:s1+s3] =	stream.linear.scatter [tilespmem:s9], [sflag:$0x3], $0x8000, $0x38;
	[tilespmem:$0x10100] =	vst v63  }
0x73: {  	_ =	swait.ge [sflag:s8], $0x8000  }
0x74: {  	[sflag:s8] =	ssyncset.done $0x0  }
0x75: {  	[sflag:s8] =	ssyncadd.s32 $0xFFFF8000  }
0x76: {  	v3 =	vld [tilespmem:$0x40];
	_ =	sdelay $0x4  }
0x77: {  	v52 =	vshll.u32 v3, $0x3  }
0x78: {  	v3 =	vand.u32 $0x7, v3;
	v4 =	vand.u32 $0xFFFFFFC0, v52  }
0x79: {  	v3 =	vor.u32 v3, v4  }
0x7a: {  	v4 =	vperm.xlane v3, v0;
	_ =	sdelay $0x1  }
0x7b: {  	v4 =	vadd.s32 v1, v4;
	_ =	sdelay $0x4  }
0x7c: {  	[tilespmem:s9], [sflag:$0x1] =	stream.indirect_vreg.gather [hbm4b:s2+s3], $0x80, v4, vm0, $0xb8;
	[tilespmem:$0x10100] =	vst v63  }
0x7d: {  	v3 =	vperm.xlane v3, v2  }
0x7e: {  	[tilespmem:s21], [sflag:$0x1] =	stream.indirect_vreg.gather [hbm4b:s4+s3], $0x80, v4, vm0, $0xb8;
	[tilespmem:$0x10100] =	vst v63  }
0x7f: {  	v3 =	vadd.s32 v1, v3  }
0x80: {  	[tilespmem:s22], [sflag:$0x1] =	stream.indirect_vreg.gather [hbm4b:s5+s3], $0x80, v4, vm0, $0xb8;
	[tilespmem:$0x10100] =	vst v63  }
0x81: {  	_ = 	snop  }
0x82: {  	[tilespmem:s23], [sflag:$0x1] =	stream.indirect_vreg.gather [hbm4b:s6+s3], $0x80, v4, vm0, $0xb8;
	[tilespmem:$0x10100] =	vst v63  }
0x83: {  	_ = 	snop  }
0x84: {  	[tilespmem:s24], [sflag:$0x1] =	stream.indirect_vreg.gather [hbm4b:s2+s3], $0x80, v3, vm0, $0xb8;
	[tilespmem:$0x10100] =	vst v63  }
0x85: {  	_ = 	snop  }
0x86: {  	[tilespmem:s26], [sflag:$0x1] =	stream.indirect_vreg.gather [hbm4b:s4+s3], $0x80, v3, vm0, $0xb8;
	[tilespmem:$0x10100] =	vst v63  }
0x87: {  	_ = 	snop  }
0x88: {  	[tilespmem:s28], [sflag:$0x1] =	stream.indirect_vreg.gather [hbm4b:s5+s3], $0x80, v3, vm0, $0xb8;
	[tilespmem:$0x10100] =	vst v63  }
0x89: {  	_ = 	snop  }
0x8a: {  	[tilespmem:s29], [sflag:$0x1] =	stream.indirect_vreg.gather [hbm4b:s6+s3], $0x80, v3, vm0, $0xb8;
	[tilespmem:$0x10100] =	vst v63  }
0x8b: {  	v3 =	vld [tilespmem:$0x50];
	_ =	sdelay $0x4  }
0x8c: {  	v53 =	vshll.u32 v3, $0x3  }
0x8d: {  	v3 =	vand.u32 $0x7, v3;
	v4 =	vand.u32 $0xFFFFFFC0, v53  }
0x8e: {  	v3 =	vor.u32 v3, v4  }
0x8f: {  	v4 =	vperm.xlane v3, v0;
	_ =	sdelay $0x1  }
0x90: {  	v4 =	vadd.s32 v1, v4;
	_ =	sdelay $0x4  }
0x91: {  	[tilespmem:s30], [sflag:$0x1] =	stream.indirect_vreg.gather [hbm4b:s2+s3], $0x80, v4, vm0, $0xb8;
	[tilespmem:$0x10100] =	vst v63  }
0x92: {  	v3 =	vperm.xlane v3, v2  }
0x93: {  	[tilespmem:s31], [sflag:$0x1] =	stream.indirect_vreg.gather [hbm4b:s4+s3], $0x80, v4, vm0, $0xb8;
	[tilespmem:$0x10100] =	vst v63  }
0x94: {  	v3 =	vadd.s32 v1, v3  }
0x95: {  	[tilespmem:s16], [sflag:$0x1] =	stream.indirect_vreg.gather [hbm4b:s5+s3], $0x80, v4, vm0, $0xb8;
	[tilespmem:$0x10100] =	vst v63  }
0x96: {  	_ = 	snop  }
0x97: {  	[tilespmem:s15], [sflag:$0x1] =	stream.indirect_vreg.gather [hbm4b:s6+s3], $0x80, v4, vm0, $0xb8;
	[tilespmem:$0x10100] =	vst v63  }
0x98: {  	_ = 	snop  }
0x99: {  	[tilespmem:s10], [sflag:$0x1] =	stream.indirect_vreg.gather [hbm4b:s2+s3], $0x80, v3, vm0, $0xb8;
	[tilespmem:$0x10100] =	vst v63  }
0x9a: {  	_ = 	snop  }
0x9b: {  	[tilespmem:s11], [sflag:$0x1] =	stream.indirect_vreg.gather [hbm4b:s4+s3], $0x80, v3, vm0, $0xb8;
	[tilespmem:$0x10100] =	vst v63  }
0x9c: {  	_ = 	snop  }
0x9d: {  	[tilespmem:s12], [sflag:$0x1] =	stream.indirect_vreg.gather [hbm4b:s5+s3], $0x80, v3, vm0, $0xb8;
	[tilespmem:$0x10100] =	vst v63  }
0x9e: {  	_ = 	snop  }
0x9f: {  	[tilespmem:s13], [sflag:$0x1] =	stream.indirect_vreg.gather [hbm4b:s6+s3], $0x80, v3, vm0, $0xb8;
	[tilespmem:$0x10100] =	vst v63  }
0xa0: {  	_ =	swait.ge [sflag:s19], $0x8000  }
0xa1: {  	[sflag:s19] =	ssyncset.done $0x0  }
0xa2: {  	s1 =	rddreg [dreg:$0x5];
	[sflag:s19] =	ssyncadd.s32 $0xFFFF8000  }
0xa3: {  	[hbm4b:s1+s3] =	stream.linear.scatter [tilespmem:s25], [sflag:$0x3], $0x8000, $0x38;
	[tilespmem:$0x10100] =	vst v63  }
0xa4: {  	_ =	swait.ge [sflag:s8], $0x8000  }
0xa5: {  	[sflag:s8] =	ssyncset.done $0x0  }
0xa6: {  	[sflag:s8] =	ssyncadd.s32 $0xFFFF8000  }
0xa7: {  	v3 =	vld [tilespmem:$0x60];
	_ =	sdelay $0x4  }
0xa8: {  	v54 =	vshll.u32 v3, $0x3  }
0xa9: {  	v3 =	vand.u32 $0x7, v3;
	v4 =	vand.u32 $0xFFFFFFC0, v54  }
0xaa: {  	v3 =	vor.u32 v3, v4  }
0xab: {  	v4 =	vperm.xlane v3, v0;
	_ =	sdelay $0x1  }
0xac: {  	v4 =	vadd.s32 v1, v4;
	_ =	sdelay $0x4  }
0xad: {  	[tilespmem:s25], [sflag:$0x2] =	stream.indirect_vreg.gather [hbm4b:s2+s3], $0x80, v4, vm0, $0xb8;
	[tilespmem:$0x10100] =	vst v63  }
0xae: {  	s0 =	simm.s32 $0x8900;
	v3 =	vperm.xlane v3, v2  }
0xaf: {  	[tilespmem:s0], [sflag:$0x2] =	stream.indirect_vreg.gather [hbm4b:s4+s3], $0x80, v4, vm0, $0xb8;
	[tilespmem:$0x10100] =	vst v63  }
0xb0: {  	v3 =	vadd.s32 v1, v3;
	s0 =	simm.s32 $0x9100  }
0xb1: {  	[tilespmem:s0], [sflag:$0x2] =	stream.indirect_vreg.gather [hbm4b:s5+s3], $0x80, v4, vm0, $0xb8;
	[tilespmem:$0x10100] =	vst v63  }
0xb2: {  	s1 =	simm.s32 $0x9900  }
0xb3: {  	[tilespmem:s1], [sflag:$0x2] =	stream.indirect_vreg.gather [hbm4b:s6+s3], $0x80, v4, vm0, $0xb8;
	[tilespmem:$0x10100] =	vst v63  }
0xb4: {  	s20 =	simm.s32 $0xA100  }
0xb5: {  	[tilespmem:s20], [sflag:$0x2] =	stream.indirect_vreg.gather [hbm4b:s2+s3], $0x80, v3, vm0, $0xb8;
	[tilespmem:$0x10100] =	vst v63  }
0xb6: {  	s20 =	simm.s32 $0xA900  }
0xb7: {  	[tilespmem:s20], [sflag:$0x2] =	stream.indirect_vreg.gather [hbm4b:s4+s3], $0x80, v3, vm0, $0xb8;
	[tilespmem:$0x10100] =	vst v63  }
0xb8: {  	s20 =	simm.s32 $0xB100  }
0xb9: {  	[tilespmem:s20], [sflag:$0x2] =	stream.indirect_vreg.gather [hbm4b:s5+s3], $0x80, v3, vm0, $0xb8;
	[tilespmem:$0x10100] =	vst v63  }
0xba: {  	s14 =	simm.s32 $0xB900  }
0xbb: {  	[tilespmem:s14], [sflag:$0x2] =	stream.indirect_vreg.gather [hbm4b:s6+s3], $0x80, v3, vm0, $0xb8;
	[tilespmem:$0x10100] =	vst v63  }
0xbc: {  	v3 =	vld [tilespmem:$0x70];
	_ =	sdelay $0x4  }
0xbd: {  	v55 =	vshll.u32 v3, $0x3  }
0xbe: {  	v3 =	vand.u32 $0x7, v3;
	v4 =	vand.u32 $0xFFFFFFC0, v55  }
0xbf: {  	v3 =	vor.u32 v3, v4  }
0xc0: {  	v4 =	vperm.xlane v3, v0;
	_ =	sdelay $0x1  }
0xc1: {  	v4 =	vadd.s32 v1, v4;
	_ =	sdelay $0x3  }
0xc2: {  	s17 =	simm.s32 $0xC100  }
0xc3: {  	[tilespmem:s17], [sflag:$0x2] =	stream.indirect_vreg.gather [hbm4b:s2+s3], $0x80, v4, vm0, $0xb8;
	[tilespmem:$0x10100] =	vst v63  }
0xc4: {  	s20 =	simm.s32 $0xC900;
	v3 =	vperm.xlane v3, v2  }
0xc5: {  	[tilespmem:s20], [sflag:$0x2] =	stream.indirect_vreg.gather [hbm4b:s4+s3], $0x80, v4, vm0, $0xb8;
	[tilespmem:$0x10100] =	vst v63  }
0xc6: {  	v3 =	vadd.s32 v1, v3;
	s17 =	simm.s32 $0xD100  }
0xc7: {  	[tilespmem:s17], [sflag:$0x2] =	stream.indirect_vreg.gather [hbm4b:s5+s3], $0x80, v4, vm0, $0xb8;
	[tilespmem:$0x10100] =	vst v63  }
0xc8: {  	s20 =	simm.s32 $0xD900  }
0xc9: {  	[tilespmem:s20], [sflag:$0x2] =	stream.indirect_vreg.gather [hbm4b:s6+s3], $0x80, v4, vm0, $0xb8;
	[tilespmem:$0x10100] =	vst v63  }
0xca: {  	s17 =	simm.s32 $0xE100  }
0xcb: {  	[tilespmem:s17], [sflag:$0x2] =	stream.indirect_vreg.gather [hbm4b:s2+s3], $0x80, v3, vm0, $0xb8;
	[tilespmem:$0x10100] =	vst v63  }
0xcc: {  	s20 =	simm.s32 $0xE900  }
0xcd: {  	[tilespmem:s20], [sflag:$0x2] =	stream.indirect_vreg.gather [hbm4b:s4+s3], $0x80, v3, vm0, $0xb8;
	[tilespmem:$0x10100] =	vst v63  }
0xce: {  	s17 =	simm.s32 $0xF100  }
0xcf: {  	[tilespmem:s17], [sflag:$0x2] =	stream.indirect_vreg.gather [hbm4b:s5+s3], $0x80, v3, vm0, $0xb8;
	[tilespmem:$0x10100] =	vst v63  }
0xd0: {  	s20 =	simm.s32 $0xF900  }
0xd1: {  	[tilespmem:s20], [sflag:$0x2] =	stream.indirect_vreg.gather [hbm4b:s6+s3], $0x80, v3, vm0, $0xb8;
	[tilespmem:$0x10100] =	vst v63  }
0xd2: {  	_ =	swait.ge [sflag:s18], $0x8000  }
0xd3: {  	[sflag:s18] =	ssyncset.done $0x0  }
0xd4: {  	s17 =	rddreg [dreg:$0x6];
	[sflag:s18] =	ssyncadd.s32 $0xFFFF8000  }
0xd5: {  	[hbm4b:s17+s3] =	stream.linear.scatter [tilespmem:s9], [sflag:$0x3], $0x8000, $0x38;
	[tilespmem:$0x10100] =	vst v63  }
0xd6: {  	_ =	swait.ge [sflag:s8], $0x8000  }
0xd7: {  	[sflag:s8] =	ssyncset.done $0x0  }
0xd8: {  	[sflag:s8] =	ssyncadd.s32 $0xFFFF8000  }
0xd9: {  	v3 =	vld [tilespmem:$0x80];
	_ =	sdelay $0x4  }
0xda: {  	v56 =	vshll.u32 v3, $0x3  }
0xdb: {  	v3 =	vand.u32 $0x7, v3;
	v4 =	vand.u32 $0xFFFFFFC0, v56  }
0xdc: {  	v3 =	vor.u32 v3, v4  }
0xdd: {  	v4 =	vperm.xlane v3, v0;
	_ =	sdelay $0x1  }
0xde: {  	v4 =	vadd.s32 v1, v4;
	_ =	sdelay $0x4  }
0xdf: {  	[tilespmem:s9], [sflag:$0x1] =	stream.indirect_vreg.gather [hbm4b:s2+s3], $0x80, v4, vm0, $0xb8;
	[tilespmem:$0x10100] =	vst v63  }
0xe0: {  	v3 =	vperm.xlane v3, v2  }
0xe1: {  	[tilespmem:s21], [sflag:$0x1] =	stream.indirect_vreg.gather [hbm4b:s4+s3], $0x80, v4, vm0, $0xb8;
	[tilespmem:$0x10100] =	vst v63  }
0xe2: {  	v3 =	vadd.s32 v1, v3  }
0xe3: {  	[tilespmem:s22], [sflag:$0x1] =	stream.indirect_vreg.gather [hbm4b:s5+s3], $0x80, v4, vm0, $0xb8;
	[tilespmem:$0x10100] =	vst v63  }
0xe4: {  	_ = 	snop  }
0xe5: {  	[tilespmem:s23], [sflag:$0x1] =	stream.indirect_vreg.gather [hbm4b:s6+s3], $0x80, v4, vm0, $0xb8;
	[tilespmem:$0x10100] =	vst v63  }
0xe6: {  	_ = 	snop  }
0xe7: {  	[tilespmem:s24], [sflag:$0x1] =	stream.indirect_vreg.gather [hbm4b:s2+s3], $0x80, v3, vm0, $0xb8;
	[tilespmem:$0x10100] =	vst v63  }
0xe8: {  	_ = 	snop  }
0xe9: {  	[tilespmem:s26], [sflag:$0x1] =	stream.indirect_vreg.gather [hbm4b:s4+s3], $0x80, v3, vm0, $0xb8;
	[tilespmem:$0x10100] =	vst v63  }
0xea: {  	_ = 	snop  }
0xeb: {  	[tilespmem:s28], [sflag:$0x1] =	stream.indirect_vreg.gather [hbm4b:s5+s3], $0x80, v3, vm0, $0xb8;
	[tilespmem:$0x10100] =	vst v63  }
0xec: {  	_ = 	snop  }
0xed: {  	[tilespmem:s29], [sflag:$0x1] =	stream.indirect_vreg.gather [hbm4b:s6+s3], $0x80, v3, vm0, $0xb8;
	[tilespmem:$0x10100] =	vst v63  }
0xee: {  	v3 =	vld [tilespmem:$0x90];
	_ =	sdelay $0x4  }
0xef: {  	v57 =	vshll.u32 v3, $0x3  }
0xf0: {  	v3 =	vand.u32 $0x7, v3;
	v4 =	vand.u32 $0xFFFFFFC0, v57  }
0xf1: {  	v3 =	vor.u32 v3, v4  }
0xf2: {  	v4 =	vperm.xlane v3, v0;
	_ =	sdelay $0x1  }
0xf3: {  	v4 =	vadd.s32 v1, v4;
	_ =	sdelay $0x4  }
0xf4: {  	[tilespmem:s30], [sflag:$0x1] =	stream.indirect_vreg.gather [hbm4b:s2+s3], $0x80, v4, vm0, $0xb8;
	[tilespmem:$0x10100] =	vst v63  }
0xf5: {  	v3 =	vperm.xlane v3, v2  }
0xf6: {  	[tilespmem:s31], [sflag:$0x1] =	stream.indirect_vreg.gather [hbm4b:s4+s3], $0x80, v4, vm0, $0xb8;
	[tilespmem:$0x10100] =	vst v63  }
0xf7: {  	v3 =	vadd.s32 v1, v3  }
0xf8: {  	[tilespmem:s16], [sflag:$0x1] =	stream.indirect_vreg.gather [hbm4b:s5+s3], $0x80, v4, vm0, $0xb8;
	[tilespmem:$0x10100] =	vst v63  }
0xf9: {  	_ = 	snop  }
0xfa: {  	[tilespmem:s15], [sflag:$0x1] =	stream.indirect_vreg.gather [hbm4b:s6+s3], $0x80, v4, vm0, $0xb8;
	[tilespmem:$0x10100] =	vst v63  }
0xfb: {  	_ = 	snop  }
0xfc: {  	[tilespmem:s10], [sflag:$0x1] =	stream.indirect_vreg.gather [hbm4b:s2+s3], $0x80, v3, vm0, $0xb8;
	[tilespmem:$0x10100] =	vst v63  }
0xfd: {  	_ = 	snop  }
0xfe: {  	[tilespmem:s11], [sflag:$0x1] =	stream.indirect_vreg.gather [hbm4b:s4+s3], $0x80, v3, vm0, $0xb8;
	[tilespmem:$0x10100] =	vst v63  }
0xff: {  	_ = 	snop  }
0x100: {  	[tilespmem:s12], [sflag:$0x1] =	stream.indirect_vreg.gather [hbm4b:s5+s3], $0x80, v3, vm0, $0xb8;
	[tilespmem:$0x10100] =	vst v63  }
0x101: {  	_ = 	snop  }
0x102: {  	[tilespmem:s13], [sflag:$0x1] =	stream.indirect_vreg.gather [hbm4b:s6+s3], $0x80, v3, vm0, $0xb8;
	[tilespmem:$0x10100] =	vst v63  }
0x103: {  	_ =	swait.ge [sflag:s19], $0x8000  }
0x104: {  	[sflag:s19] =	ssyncset.done $0x0  }
0x105: {  	s14 =	rddreg [dreg:$0x7];
	[sflag:s19] =	ssyncadd.s32 $0xFFFF8000  }
0x106: {  	[hbm4b:s14+s3] =	stream.linear.scatter [tilespmem:s25], [sflag:$0x3], $0x8000, $0x38;
	[tilespmem:$0x10100] =	vst v63  }
0x107: {  	_ =	swait.ge [sflag:s8], $0x8000  }
0x108: {  	[sflag:s8] =	ssyncset.done $0x0  }
0x109: {  	[sflag:s8] =	ssyncadd.s32 $0xFFFF8000  }
0x10a: {  	v3 =	vld [tilespmem:$0xA0];
	_ =	sdelay $0x4  }
0x10b: {  	v58 =	vshll.u32 v3, $0x3  }
0x10c: {  	v3 =	vand.u32 $0x7, v3;
	v4 =	vand.u32 $0xFFFFFFC0, v58  }
0x10d: {  	v3 =	vor.u32 v3, v4  }
0x10e: {  	v4 =	vperm.xlane v3, v0;
	_ =	sdelay $0x1  }
0x10f: {  	v4 =	vadd.s32 v1, v4;
	_ =	sdelay $0x4  }
0x110: {  	[tilespmem:s25], [sflag:$0x2] =	stream.indirect_vreg.gather [hbm4b:s2+s3], $0x80, v4, vm0, $0xb8;
	[tilespmem:$0x10100] =	vst v63  }
0x111: {  	s17 =	simm.s32 $0x8900;
	v3 =	vperm.xlane v3, v2  }
0x112: {  	[tilespmem:s17], [sflag:$0x2] =	stream.indirect_vreg.gather [hbm4b:s4+s3], $0x80, v4, vm0, $0xb8;
	[tilespmem:$0x10100] =	vst v63  }
0x113: {  	v3 =	vadd.s32 v1, v3  }
0x114: {  	[tilespmem:s0], [sflag:$0x2] =	stream.indirect_vreg.gather [hbm4b:s5+s3], $0x80, v4, vm0, $0xb8;
	[tilespmem:$0x10100] =	vst v63  }
0x115: {  	_ = 	snop  }
0x116: {  	[tilespmem:s1], [sflag:$0x2] =	stream.indirect_vreg.gather [hbm4b:s6+s3], $0x80, v4, vm0, $0xb8;
	[tilespmem:$0x10100] =	vst v63  }
0x117: {  	s20 =	simm.s32 $0xA100  }
0x118: {  	[tilespmem:s20], [sflag:$0x2] =	stream.indirect_vreg.gather [hbm4b:s2+s3], $0x80, v3, vm0, $0xb8;
	[tilespmem:$0x10100] =	vst v63  }
0x119: {  	s17 =	simm.s32 $0xA900  }
0x11a: {  	[tilespmem:s17], [sflag:$0x2] =	stream.indirect_vreg.gather [hbm4b:s4+s3], $0x80, v3, vm0, $0xb8;
	[tilespmem:$0x10100] =	vst v63  }
0x11b: {  	s20 =	simm.s32 $0xB100  }
0x11c: {  	[tilespmem:s20], [sflag:$0x2] =	stream.indirect_vreg.gather [hbm4b:s5+s3], $0x80, v3, vm0, $0xb8;
	[tilespmem:$0x10100] =	vst v63  }
0x11d: {  	s20 =	simm.s32 $0xB900  }
0x11e: {  	[tilespmem:s20], [sflag:$0x2] =	stream.indirect_vreg.gather [hbm4b:s6+s3], $0x80, v3, vm0, $0xb8;
	[tilespmem:$0x10100] =	vst v63  }
0x11f: {  	v3 =	vld [tilespmem:$0xB0];
	_ =	sdelay $0x4  }
0x120: {  	v59 =	vshll.u32 v3, $0x3  }
0x121: {  	v3 =	vand.u32 $0x7, v3;
	v4 =	vand.u32 $0xFFFFFFC0, v59  }
0x122: {  	v3 =	vor.u32 v3, v4  }
0x123: {  	v4 =	vperm.xlane v3, v0;
	_ =	sdelay $0x1  }
0x124: {  	v4 =	vadd.s32 v1, v4;
	_ =	sdelay $0x3  }
0x125: {  	s20 =	simm.s32 $0xC100  }
0x126: {  	[tilespmem:s20], [sflag:$0x2] =	stream.indirect_vreg.gather [hbm4b:s2+s3], $0x80, v4, vm0, $0xb8;
	[tilespmem:$0x10100] =	vst v63  }
0x127: {  	v3 =	vperm.xlane v3, v2;
	s20 =	simm.s32 $0xC900  }
0x128: {  	[tilespmem:s20], [sflag:$0x2] =	stream.indirect_vreg.gather [hbm4b:s4+s3], $0x80, v4, vm0, $0xb8;
	[tilespmem:$0x10100] =	vst v63  }
0x129: {  	v3 =	vadd.s32 v1, v3;
	s20 =	simm.s32 $0xD100  }
0x12a: {  	[tilespmem:s20], [sflag:$0x2] =	stream.indirect_vreg.gather [hbm4b:s5+s3], $0x80, v4, vm0, $0xb8;
	[tilespmem:$0x10100] =	vst v63  }
0x12b: {  	s20 =	simm.s32 $0xD900  }
0x12c: {  	[tilespmem:s20], [sflag:$0x2] =	stream.indirect_vreg.gather [hbm4b:s6+s3], $0x80, v4, vm0, $0xb8;
	[tilespmem:$0x10100] =	vst v63  }
0x12d: {  	s20 =	simm.s32 $0xE100  }
0x12e: {  	[tilespmem:s20], [sflag:$0x2] =	stream.indirect_vreg.gather [hbm4b:s2+s3], $0x80, v3, vm0, $0xb8;
	[tilespmem:$0x10100] =	vst v63  }
0x12f: {  	s20 =	simm.s32 $0xE900  }
0x130: {  	[tilespmem:s20], [sflag:$0x2] =	stream.indirect_vreg.gather [hbm4b:s4+s3], $0x80, v3, vm0, $0xb8;
	[tilespmem:$0x10100] =	vst v63  }
0x131: {  	s20 =	simm.s32 $0xF100  }
0x132: {  	[tilespmem:s20], [sflag:$0x2] =	stream.indirect_vreg.gather [hbm4b:s5+s3], $0x80, v3, vm0, $0xb8;
	[tilespmem:$0x10100] =	vst v63  }
0x133: {  	s20 =	simm.s32 $0xF900  }
0x134: {  	[tilespmem:s20], [sflag:$0x2] =	stream.indirect_vreg.gather [hbm4b:s6+s3], $0x80, v3, vm0, $0xb8;
	[tilespmem:$0x10100] =	vst v63  }
0x135: {  	_ =	swait.ge [sflag:s18], $0x8000  }
0x136: {  	[sflag:s18] =	ssyncset.done $0x0  }
0x137: {  	s20 =	rddreg [dreg:$0x8];
	[sflag:s18] =	ssyncadd.s32 $0xFFFF8000  }
0x138: {  	[hbm4b:s20+s3] =	stream.linear.scatter [tilespmem:s9], [sflag:$0x3], $0x8000, $0x38;
	[tilespmem:$0x10100] =	vst v63  }
0x139: {  	_ =	swait.ge [sflag:s8], $0x8000  }
0x13a: {  	[sflag:s8] =	ssyncset.done $0x0  }
0x13b: {  	[sflag:s8] =	ssyncadd.s32 $0xFFFF8000  }
0x13c: {  	v3 =	vld [tilespmem:$0xC0];
	_ =	sdelay $0x4  }
0x13d: {  	v60 =	vshll.u32 v3, $0x3  }
0x13e: {  	v3 =	vand.u32 $0x7, v3;
	v4 =	vand.u32 $0xFFFFFFC0, v60  }
0x13f: {  	v3 =	vor.u32 v3, v4  }
0x140: {  	v4 =	vperm.xlane v3, v0;
	_ =	sdelay $0x1  }
0x141: {  	v4 =	vadd.s32 v1, v4;
	_ =	sdelay $0x4  }
0x142: {  	[tilespmem:s9], [sflag:$0x1] =	stream.indirect_vreg.gather [hbm4b:s2+s3], $0x80, v4, vm0, $0xb8;
	[tilespmem:$0x10100] =	vst v63  }
0x143: {  	v3 =	vperm.xlane v3, v2  }
0x144: {  	[tilespmem:s21], [sflag:$0x1] =	stream.indirect_vreg.gather [hbm4b:s4+s3], $0x80, v4, vm0, $0xb8;
	[tilespmem:$0x10100] =	vst v63  }
0x145: {  	v3 =	vadd.s32 v1, v3  }
0x146: {  	[tilespmem:s22], [sflag:$0x1] =	stream.indirect_vreg.gather [hbm4b:s5+s3], $0x80, v4, vm0, $0xb8;
	[tilespmem:$0x10100] =	vst v63  }
0x147: {  	_ = 	snop  }
0x148: {  	[tilespmem:s23], [sflag:$0x1] =	stream.indirect_vreg.gather [hbm4b:s6+s3], $0x80, v4, vm0, $0xb8;
	[tilespmem:$0x10100] =	vst v63  }
0x149: {  	_ = 	snop  }
0x14a: {  	[tilespmem:s24], [sflag:$0x1] =	stream.indirect_vreg.gather [hbm4b:s2+s3], $0x80, v3, vm0, $0xb8;
	[tilespmem:$0x10100] =	vst v63  }
0x14b: {  	_ = 	snop  }
0x14c: {  	[tilespmem:s26], [sflag:$0x1] =	stream.indirect_vreg.gather [hbm4b:s4+s3], $0x80, v3, vm0, $0xb8;
	[tilespmem:$0x10100] =	vst v63  }
0x14d: {  	_ = 	snop  }
0x14e: {  	[tilespmem:s28], [sflag:$0x1] =	stream.indirect_vreg.gather [hbm4b:s5+s3], $0x80, v3, vm0, $0xb8;
	[tilespmem:$0x10100] =	vst v63  }
0x14f: {  	_ = 	snop  }
0x150: {  	[tilespmem:s29], [sflag:$0x1] =	stream.indirect_vreg.gather [hbm4b:s6+s3], $0x80, v3, vm0, $0xb8;
	[tilespmem:$0x10100] =	vst v63  }
0x151: {  	v3 =	vld [tilespmem:$0xD0];
	_ =	sdelay $0x4  }
0x152: {  	v61 =	vshll.u32 v3, $0x3  }
0x153: {  	v3 =	vand.u32 $0x7, v3;
	v4 =	vand.u32 $0xFFFFFFC0, v61  }
0x154: {  	v3 =	vor.u32 v3, v4  }
0x155: {  	v4 =	vperm.xlane v3, v0;
	_ =	sdelay $0x1  }
0x156: {  	v4 =	vadd.s32 v1, v4;
	_ =	sdelay $0x4  }
0x157: {  	[tilespmem:s30], [sflag:$0x1] =	stream.indirect_vreg.gather [hbm4b:s2+s3], $0x80, v4, vm0, $0xb8;
	[tilespmem:$0x10100] =	vst v63  }
0x158: {  	v3 =	vperm.xlane v3, v2  }
0x159: {  	[tilespmem:s31], [sflag:$0x1] =	stream.indirect_vreg.gather [hbm4b:s4+s3], $0x80, v4, vm0, $0xb8;
	[tilespmem:$0x10100] =	vst v63  }
0x15a: {  	v3 =	vadd.s32 v1, v3  }
0x15b: {  	[tilespmem:s16], [sflag:$0x1] =	stream.indirect_vreg.gather [hbm4b:s5+s3], $0x80, v4, vm0, $0xb8;
	[tilespmem:$0x10100] =	vst v63  }
0x15c: {  	_ = 	snop  }
0x15d: {  	[tilespmem:s15], [sflag:$0x1] =	stream.indirect_vreg.gather [hbm4b:s6+s3], $0x80, v4, vm0, $0xb8;
	[tilespmem:$0x10100] =	vst v63  }
0x15e: {  	_ = 	snop  }
0x15f: {  	[tilespmem:s10], [sflag:$0x1] =	stream.indirect_vreg.gather [hbm4b:s2+s3], $0x80, v3, vm0, $0xb8;
	[tilespmem:$0x10100] =	vst v63  }
0x160: {  	_ = 	snop  }
0x161: {  	[tilespmem:s11], [sflag:$0x1] =	stream.indirect_vreg.gather [hbm4b:s4+s3], $0x80, v3, vm0, $0xb8;
	[tilespmem:$0x10100] =	vst v63  }
0x162: {  	_ = 	snop  }
0x163: {  	[tilespmem:s12], [sflag:$0x1] =	stream.indirect_vreg.gather [hbm4b:s5+s3], $0x80, v3, vm0, $0xb8;
	[tilespmem:$0x10100] =	vst v63  }
0x164: {  	_ = 	snop  }
0x165: {  	[tilespmem:s13], [sflag:$0x1] =	stream.indirect_vreg.gather [hbm4b:s6+s3], $0x80, v3, vm0, $0xb8;
	[tilespmem:$0x10100] =	vst v63  }
0x166: {  	_ =	swait.ge [sflag:s19], $0x8000  }
0x167: {  	[sflag:s19] =	ssyncset.done $0x0  }
0x168: {  	s10 =	rddreg [dreg:$0x9];
	[sflag:s19] =	ssyncadd.s32 $0xFFFF8000  }
0x169: {  	[hbm4b:s10+s3] =	stream.linear.scatter [tilespmem:s25], [sflag:$0x3], $0x8000, $0x38;
	[tilespmem:$0x10100] =	vst v63  }
0x16a: {  	_ =	swait.ge [sflag:s8], $0x8000  }
0x16b: {  	[sflag:s8] =	ssyncset.done $0x0  }
0x16c: {  	[sflag:s8] =	ssyncadd.s32 $0xFFFF8000  }
0x16d: {  	v3 =	vld [tilespmem:$0xE0];
	_ =	sdelay $0x4  }
0x16e: {  	v62 =	vshll.u32 v3, $0x3  }
0x16f: {  	v3 =	vand.u32 $0x7, v3;
	v4 =	vand.u32 $0xFFFFFFC0, v62  }
0x170: {  	v3 =	vor.u32 v3, v4  }
0x171: {  	v4 =	vperm.xlane v3, v0;
	_ =	sdelay $0x1  }
0x172: {  	v4 =	vadd.s32 v1, v4;
	_ =	sdelay $0x4  }
0x173: {  	[tilespmem:s25], [sflag:$0x2] =	stream.indirect_vreg.gather [hbm4b:s2+s3], $0x80, v4, vm0, $0xb8;
	[tilespmem:$0x10100] =	vst v63  }
0x174: {  	s20 =	simm.s32 $0x8900;
	v3 =	vperm.xlane v3, v2  }
0x175: {  	[tilespmem:s20], [sflag:$0x2] =	stream.indirect_vreg.gather [hbm4b:s4+s3], $0x80, v4, vm0, $0xb8;
	[tilespmem:$0x10100] =	vst v63  }
0x176: {  	s0 =	simm.s32 $0x9100;
	v3 =	vadd.s32 v1, v3  }
0x177: {  	[tilespmem:s0], [sflag:$0x2] =	stream.indirect_vreg.gather [hbm4b:s5+s3], $0x80, v4, vm0, $0xb8;
	[tilespmem:$0x10100] =	vst v63  }
0x178: {  	s1 =	simm.s32 $0x9900  }
0x179: {  	[tilespmem:s1], [sflag:$0x2] =	stream.indirect_vreg.gather [hbm4b:s6+s3], $0x80, v4, vm0, $0xb8;
	[tilespmem:$0x10100] =	vst v63  }
0x17a: {  	s10 =	simm.s32 $0xA100  }
0x17b: {  	[tilespmem:s10], [sflag:$0x2] =	stream.indirect_vreg.gather [hbm4b:s2+s3], $0x80, v3, vm0, $0xb8;
	[tilespmem:$0x10100] =	vst v63  }
0x17c: {  	s14 =	simm.s32 $0xA900  }
0x17d: {  	[tilespmem:s14], [sflag:$0x2] =	stream.indirect_vreg.gather [hbm4b:s4+s3], $0x80, v3, vm0, $0xb8;
	[tilespmem:$0x10100] =	vst v63  }
0x17e: {  	s17 =	simm.s32 $0xB100  }
0x17f: {  	[tilespmem:s17], [sflag:$0x2] =	stream.indirect_vreg.gather [hbm4b:s5+s3], $0x80, v3, vm0, $0xb8;
	[tilespmem:$0x10100] =	vst v63  }
0x180: {  	s17 =	simm.s32 $0xB900  }
0x181: {  	[tilespmem:s17], [sflag:$0x2] =	stream.indirect_vreg.gather [hbm4b:s6+s3], $0x80, v3, vm0, $0xb8;
	[tilespmem:$0x10100] =	vst v63  }
0x182: {  	v3 =	vld [tilespmem:$0xF0];
	_ =	sdelay $0x4  }
0x183: {  	v63 =	vshll.u32 v3, $0x3  }
0x184: {  	v3 =	vand.u32 $0x7, v3;
	v4 =	vand.u32 $0xFFFFFFC0, v63  }
0x185: {  	v3 =	vor.u32 v3, v4  }
0x186: {  	v4 =	vperm.xlane v3, v0;
	_ =	sdelay $0x1  }
0x187: {  	v4 =	vadd.s32 v1, v4;
	_ =	sdelay $0x3  }
0x188: {  	s20 =	simm.s32 $0xC100  }
0x189: {  	[tilespmem:s20], [sflag:$0x2] =	stream.indirect_vreg.gather [hbm4b:s2+s3], $0x80, v4, vm0, $0xb8;
	[tilespmem:$0x10100] =	vst v63  }
0x18a: {  	s1 =	simm.s32 $0xC900;
	v3 =	vperm.xlane v3, v2  }
0x18b: {  	[tilespmem:s1], [sflag:$0x2] =	stream.indirect_vreg.gather [hbm4b:s4+s3], $0x80, v4, vm0, $0xb8;
	[tilespmem:$0x10100] =	vst v63  }
0x18c: {  	s10 =	simm.s32 $0xD100;
	v3 =	vadd.s32 v1, v3  }
0x18d: {  	[tilespmem:s10], [sflag:$0x2] =	stream.indirect_vreg.gather [hbm4b:s5+s3], $0x80, v4, vm0, $0xb8;
	[tilespmem:$0x10100] =	vst v63  }
0x18e: {  	s14 =	simm.s32 $0xD900  }
0x18f: {  	[tilespmem:s14], [sflag:$0x2] =	stream.indirect_vreg.gather [hbm4b:s6+s3], $0x80, v4, vm0, $0xb8;
	[tilespmem:$0x10100] =	vst v63  }
0x190: {  	s17 =	simm.s32 $0xE100  }
0x191: {  	[tilespmem:s17], [sflag:$0x2] =	stream.indirect_vreg.gather [hbm4b:s2+s3], $0x80, v3, vm0, $0xb8;
	[tilespmem:$0x10100] =	vst v63  }
0x192: {  	s20 =	simm.s32 $0xE900  }
0x193: {  	[tilespmem:s20], [sflag:$0x2] =	stream.indirect_vreg.gather [hbm4b:s4+s3], $0x80, v3, vm0, $0xb8;
	[tilespmem:$0x10100] =	vst v63  }
0x194: {  	s1 =	simm.s32 $0xF100  }
0x195: {  	[tilespmem:s1], [sflag:$0x2] =	stream.indirect_vreg.gather [hbm4b:s5+s3], $0x80, v3, vm0, $0xb8;
	[tilespmem:$0x10100] =	vst v63  }
0x196: {  	s10 =	simm.s32 $0xF900  }
0x197: {  	[tilespmem:s10], [sflag:$0x2] =	stream.indirect_vreg.gather [hbm4b:s6+s3], $0x80, v3, vm0, $0xb8;
	[tilespmem:$0x10100] =	vst v63  }
0x198: {  	_ =	swait.ge [sflag:s18], $0x8000  }
0x199: {  	[sflag:s18] =	ssyncset.done $0x0  }
0x19a: {  	s14 =	rddreg [dreg:$0xa];
	[sflag:s18] =	ssyncadd.s32 $0xFFFF8000  }
0x19b: {  	[hbm4b:s14+s3] =	stream.linear.scatter [tilespmem:s9], [sflag:$0x3], $0x8000, $0x38;
	[tilespmem:$0x10100] =	vst v63  }
0x19c: {  	_ =	swait.ge [sflag:s8], $0x8000  }
0x19d: {  	[sflag:s8] =	ssyncset.done $0x0  }
0x19e: {  	[sflag:s8] =	ssyncadd.s32 $0xFFFF8000  }
0x19f: {  	_ =	swait.ge [sflag:s19], $0x8000  }
0x1a0: {  	p0 =	sne.s32 s7, $0x1;
	[sflag:s19] =	ssyncset.done $0x0  }
.Ltmp0:
0x1a1: {  	s17 =	rddreg [dreg:$0xb];
	[sflag:s19] =	ssyncadd.s32 $0xFFFF8000;
	(pc) =	sbr.rel @p0 .LBB2_1-.Ltmp0, $4  }
0x1a2: {  	[hbm4b:s17+s3] =	stream.linear.scatter [tilespmem:s25], [sflag:$0x3], $0x8000, $0x38;
	[tilespmem:$0x10100] =	vst v63  }
0x1a3: {  	_ =	swait.ge [sflag:s8], $0x8000  }
0x1a4: {  	[sflag:s8] =	ssyncset.done $0x0  }
0x1a5: {  	s7 =	sadd.s32 $0xFFFFFFFF, s7;
	[sflag:s8] =	ssyncadd.s32 $0xFFFF8000  }
0x1a6: {  	_ =	sfence.sel $0x180000  }
0x1a7: {  	[bflag:$0x0] =	sbarrier.arrive $0xFFFF  }
0x1a8: {  	_ =	strace $0x9000004D  }
0x1a9: {  	s0 =	stileid.u32;
	[bflag:$0x2] =	sbarrier.arrive $0xFFFF  }
0x1aa: {  	p0 =	sne.s32 s0, $0x0;
	s0 =	rddreg [dreg:$0x2]  }
0x1ab: {  	s0 =	sadd.s32 @!p0 $0x100000, s0  }
0x1ac: {  	[sflag:s0] =	ssyncadd.tile.s32 @!p0 $0x1;
	_ =	shalt  }
.Lfunc_end2:
_tile_overlayer_lowered:
.L_overlay_start_2:
0x1ad: {  	(tag) =	ssettag $0x2  }
0x1ae: {  	s0 =	rddreg [dreg:$0x0];
	s2 =	stileid.u32  }
0x1af: {  	s1 =	rddreg [dreg:$0x1];
	p0 =	sne.s32 s2, $0x0  }
0x1b0: {  	s3 =	rddreg [dreg:$0x2];
	[bflag:$0x3] =	sbarrier.arrive $0xFFFF;
	s2 =	simm.s32 @!p0 $0x1C03  }
0x1b1: {  	[timem:s3], [sflag:s2] =	dma.local @!p0 [hbm:s0], s1  }
0x1b2: {  	s0 =	simm.s32 @!p0 $0x3  }
0x1b3: {  	_ =	swait.ge @!p0 [sflag:s0], s1  }
0x1b4: {  	s1 =	ssub.s32 @!p0 $0x0, s1;
	[sflag:s0] =	ssyncset.done @!p0 $0x0  }
0x1b5: {  	[sflag:s0] =	ssyncadd.s32 @!p0 s1  }
0x1b6: {  	[bflag:$0x3] =	sbarrier.arrive $0xFFFF  }
0x1b7: {  	_ =	shalt  }

</sc_bundles>
